<compile_context>
chip_gen: v7x
topology: tpu7x:2x2x1
jax: 0.10.2.dev20260603
libtpu: 0.0.44.dev20260713+nightly
codegen_flags: <defaults>
</compile_context>

<pallas_src>
import functools

import jax
import jax.numpy as jnp
from jax import lax
from jax.experimental import pallas as pl
from jax.experimental.pallas import tpu as pltpu
from jax.experimental.pallas import tpu_sc as plsc

NX, NY = 512, 512
VX, VY = 0.25, 0.25
X_OFF = VX / 2.0 + (-50.0)
Y_OFF = VY / 2.0 + (-50.0)
C = 64
P = 16000
MAXPTS = 15
RAW_F = 4
NCELL = NX * NY

KX = 138
NBLK = 16
NOUT = NBLK * C
BIG = float(2.0 ** 30)

BP = 800

NUM_SC = 2
NUM_SUBCORES = 16
NW = NUM_SC * NUM_SUBCORES
CELLS_PER = NCELL // NW
NV = P // 16
CH = 128
MAXCH = P // CH + 1
NTRASH = 64

BT = 4096


def _make_w_full(W, b):
    f32 = jnp.float32
    w_v = W[0:4, :]
    w_cl = W[4:7, :]
    w_eff = (
        w_v
        + jnp.concatenate([w_cl, jnp.zeros((1, C), f32)], axis=0)
        + jnp.concatenate([W[7:9, :], jnp.zeros((2, C), f32)], axis=0)
    )

    def tile15(row):
        return jnp.concatenate(
            [jnp.tile(row, (1, MAXPTS)), jnp.zeros((row.shape[0], C), f32)], axis=1)

    r_vox = jnp.concatenate(
        [jnp.kron(jnp.eye(MAXPTS, dtype=f32), w_eff), jnp.zeros((60, C), f32)],
        axis=1)
    mcl = jnp.concatenate([-w_cl, jnp.zeros((1, C), f32)], axis=0)
    r_mean = jnp.concatenate(
        [jnp.tile(jnp.tile(mcl, (MAXPTS, 1)), (1, MAXPTS)),
         jnp.zeros((60, C), f32)], axis=1)
    r_cx = tile15(-VX * W[7:8, :])
    r_cy = tile15(-VY * W[8:9, :])
    s_ids = jnp.arange(MAXPTS, dtype=jnp.int32)[:, None]
    t_ids = jnp.arange(NBLK, dtype=jnp.int32)[None, :]
    gate = jnp.where(
        (t_ids < MAXPTS) & (t_ids >= s_ids + 1), -BIG,
        jnp.where((t_ids == MAXPTS) & (s_ids == MAXPTS - 1), -BIG, 0.0),
    ).astype(f32)
    r_gate = jnp.kron(gate, jnp.ones((1, C), f32))
    base = (b[None, :] - X_OFF * W[7:8, :] - Y_OFF * W[8:9, :])
    r_one = jnp.concatenate([jnp.tile(base, (1, MAXPTS)), b[None, :]], axis=1)
    return jnp.concatenate([r_vox, r_mean, r_cx, r_cy, r_gate, r_one], axis=0)


def _pfn_body(vox_ref, npv_ref, coords_ref, wf_ref, vf_ref):
    v60 = vox_ref[...]
    npv = npv_ref[...]
    coords = coords_ref[...].astype(jnp.float32)
    pt = (lax.broadcasted_iota(jnp.int32, (1, MAXPTS), 1) + 1
          ).astype(jnp.float32)
    onehot = (npv == pt).astype(jnp.float32)
    x = jnp.concatenate(
        [v60, v60 * (1.0 / npv), coords, onehot,
         jnp.ones((BP, 1), jnp.float32)], axis=1)
    logits = jnp.dot(x, wf_ref[...], preferred_element_type=jnp.float32)
    m = logits[:, 0:128]
    for k in range(1, NOUT // 128):
        m = jnp.maximum(m, logits[:, 128 * k:128 * (k + 1)])
    f = jnp.maximum(jnp.maximum(m[:, 0:C], m[:, C:2 * C]), 0.0)
    vf_ref[...] = jnp.concatenate([f, f], axis=1)


def _pfn_call(vox60, npv2, coordinates, w_full):
    grid = P // BP
    return pl.pallas_call(
        _pfn_body,
        grid=(grid,),
        in_specs=[
            pl.BlockSpec((BP, 60), lambda g: (g, 0)),
            pl.BlockSpec((BP, 1), lambda g: (g, 0)),
            pl.BlockSpec((BP, 2), lambda g: (g, 0)),
            pl.BlockSpec((KX, NOUT), lambda g: (0, 0)),
        ],
        out_specs=pl.BlockSpec((BP, 128), lambda g: (g, 0)),
        out_shape=jax.ShapeDtypeStruct((P, 128), jnp.float32),
    )(vox60, npv2, coordinates, w_full)


def _sc_dedup_body(coords_hbm, slot_hbm, wi_hbm, wc_hbm, cnt_hbm,
                   idx_l, slot_seg, win_ids, win_cells, cnt_l):
    wid = lax.axis_index("s") * NUM_SC + lax.axis_index("c")
    lo = wid * CELLS_PER
    iota = lax.iota(jnp.int32, 16)

    pltpu.sync_copy(coords_hbm, idx_l.at[pl.ds(0, 2 * P)])

    def init_body(i, _):
        slot_seg[pl.ds(i * 16, 16)] = jnp.full((16,), -1, jnp.int32)
        return 0
    lax.fori_loop(0, CELLS_PER // 16, init_body, 0, unroll=4)

    def dedup_body(k, _):
        pos = (k * 16 + iota) * 2
        x = plsc.load_gather(idx_l, [pos])
        y = plsc.load_gather(idx_l, [pos + 1])
        cell = x * NY + y
        plsc.store_scatter(idx_l, [2 * P + k * 16 + iota], cell)
        ids = k * 16 + iota
        loc = cell - lo
        inr = (loc >= 0) & (loc < CELLS_PER)
        locc = jnp.clip(loc, 0, CELLS_PER - 1)
        plsc.store_scatter(slot_seg, [locc], ids, mask=inr)
        cur = plsc.load_gather(slot_seg, [locc], mask=inr)
        want = jnp.where(inr & (cur < ids), 1, 0)

        def cond(w):
            return jnp.max(w) > 0

        def retry(w):
            wb = w > 0
            plsc.store_scatter(slot_seg, [locc], ids, mask=wb)
            cur2 = plsc.load_gather(slot_seg, [locc], mask=wb)
            return jnp.where(wb & (cur2 < ids), 1, 0)

        lax.while_loop(cond, retry, want)
        return 0
    lax.fori_loop(0, NV, dedup_body, 0, unroll=2)

    def comp_body(k, cnt):
        cell = idx_l[pl.ds(2 * P + k * 16, 16)]
        ids = k * 16 + iota
        loc = cell - lo
        inr = (loc >= 0) & (loc < CELLS_PER)
        locc = jnp.clip(loc, 0, CELLS_PER - 1)
        cur = plsc.load_gather(slot_seg, [locc], mask=inr)
        win = inr & (cur == ids)
        m = jnp.where(win, 1, 0)
        pos = cnt + plsc.cumsum(m) - m
        row = lax.shift_right_logical(pos, 7)
        col = pos & (CH - 1)
        plsc.store_scatter(win_ids, [row, col], ids, mask=win)
        plsc.store_scatter(win_cells, [row, col], cell, mask=win)
        return cnt + plsc.all_reduce_population_count(win)

    cntv = lax.fori_loop(0, NV, comp_body, jnp.zeros((16,), jnp.int32),
                         unroll=2)
    total = jnp.max(cntv)

    def pad_body(j, _):
        pos = total + j * 16 + iota
        row = lax.shift_right_logical(pos, 7)
        col = pos & (CH - 1)
        plsc.store_scatter(win_ids, [row, col], pos & (NTRASH - 1))
        plsc.store_scatter(win_cells, [row, col], NCELL + (pos & (NTRASH - 1)))
        return 0
    lax.fori_loop(0, CH // 16, pad_body, 0)

    cnt_l[...] = cntv
    pltpu.sync_copy(slot_seg, slot_hbm.at[pl.ds(lo, CELLS_PER)])
    pltpu.sync_copy(win_ids, wi_hbm.at[wid])
    pltpu.sync_copy(win_cells, wc_hbm.at[wid])
    pltpu.sync_copy(cnt_l, cnt_hbm.at[wid])


def _sc_move_body(vf_hbm, wi_hbm, wc_hbm, cnt_hbm, ct_hbm,
                  win_ids, win_cells, cnt_l, rows, sem_g, sem_s):
    wid = lax.axis_index("s") * NUM_SC + lax.axis_index("c")
    pltpu.sync_copy(wi_hbm.at[wid], win_ids)
    pltpu.sync_copy(wc_hbm.at[wid], win_cells)
    pltpu.sync_copy(cnt_hbm.at[wid], cnt_l)
    total = jnp.max(cnt_l[...])

    def ch_body(ci, _):
        pltpu.async_copy(vf_hbm.at[win_ids.at[ci]], rows, sem_g).wait()
        pltpu.async_copy(rows, ct_hbm.at[win_cells.at[ci]], sem_s).wait()
        return 0
    nch = (total + CH - 1) // CH
    lax.fori_loop(0, nch, ch_body, 0)


def _sc_mesh():
    return plsc.VectorSubcoreMesh(
        core_axis_name="c", subcore_axis_name="s",
        num_cores=NUM_SC, num_subcores=NUM_SUBCORES,
    )


@functools.cache
def _sc_dedup_call():
    return pl.kernel(
        _sc_dedup_body,
        out_type=(
            jax.ShapeDtypeStruct((NCELL,), jnp.int32),
            jax.ShapeDtypeStruct((NW, MAXCH, CH), jnp.int32),
            jax.ShapeDtypeStruct((NW, MAXCH, CH), jnp.int32),
            jax.ShapeDtypeStruct((NW, 16), jnp.int32),
        ),
        mesh=_sc_mesh(),
        scratch_types=[
            pltpu.VMEM((3 * P,), jnp.int32),
            pltpu.VMEM((CELLS_PER,), jnp.int32),
            pltpu.VMEM((MAXCH, CH), jnp.int32),
            pltpu.VMEM((MAXCH, CH), jnp.int32),
            pltpu.VMEM((16,), jnp.int32),
        ],
        compiler_params=pltpu.CompilerParams(
            needs_layout_passes=False, use_tc_tiling_on_sc=True),
    )


@functools.cache
def _sc_move_call():
    return pl.kernel(
        _sc_move_body,
        out_type=jax.ShapeDtypeStruct((NCELL + NTRASH, 128), jnp.float32),
        mesh=_sc_mesh(),
        scratch_types=[
            pltpu.VMEM((MAXCH, CH), jnp.int32),
            pltpu.VMEM((MAXCH, CH), jnp.int32),
            pltpu.VMEM((16,), jnp.int32),
            pltpu.VMEM((CH, 128), jnp.float32),
            pltpu.SemaphoreType.DMA,
            pltpu.SemaphoreType.DMA,
        ],
        compiler_params=pltpu.CompilerParams(
            needs_layout_passes=False, use_tc_tiling_on_sc=True),
    )


def _xpose_body(ct_ref, slot_ref, out_ref):
    a = ct_ref[...]
    s = slot_ref[...].reshape(1, BT)
    out_ref[...] = jnp.where(s >= 0, a[:, 0:C].T, 0.0)


def _xpose_call(ct, slot3):
    grid = NCELL // BT
    return pl.pallas_call(
        _xpose_body,
        grid=(grid,),
        in_specs=[
            pl.BlockSpec((BT, 128), lambda g: (g, 0)),
            pl.BlockSpec((1, 1, BT), lambda g: (g, 0, 0)),
        ],
        out_specs=pl.BlockSpec((C, BT), lambda g: (0, g)),
        out_shape=jax.ShapeDtypeStruct((C, NCELL), jnp.float32),
    )(ct, slot3)


def kernel(voxels, num_points_per_voxel, coordinates, W, b):
    vox60 = voxels.reshape(P, MAXPTS * RAW_F)
    npv2 = num_points_per_voxel.astype(jnp.float32).reshape(P, 1)
    w_full = _make_w_full(W, b)
    vf = _pfn_call(vox60, npv2, coordinates, w_full)
    slot, wi, wc, cnt = _sc_dedup_call()(coordinates.reshape(2 * P))
    ct = _sc_move_call()(vf, wi, wc, cnt)
    return _xpose_call(ct, slot.reshape(NCELL // BT, 1, BT))

# --- scband reference (transcript-rebuilt; emitter-appended) ---
"""Pipeline reference for scband-point-pillars-87016037417646 (READ-ONLY COPY).

The authoritative reference and input builder live on the scoring server;
editing this copy changes nothing except your own understanding.
"""

import jax, jax.numpy as jnp
import numpy as np

NX, NY = 512, 512
VX, VY = 0.25, 0.25
X_OFF = VX / 2.0 + (-50.0)
Y_OFF = VY / 2.0 + (-50.0)
C = 64
P = 16000
MAXPTS = 15
RAW_F = 4


def setup_inputs(seed: int = 0) -> dict:
    key = jax.random.key(seed)
    k1, k2, k3, k4, k5 = jax.random.split(key, 5)
    voxels = jax.random.normal(k1, (P, MAXPTS, RAW_F), dtype=jnp.float32)
    # at least 1 point per pillar to avoid divide-by-zero in points_mean
    num_points_per_voxel = jax.random.randint(k2, (P,), 1, MAXPTS + 1).astype(jnp.int32)
    coordinates = jax.random.randint(k3, (P, 2), 0, NX).astype(jnp.int32)
    # learned PFN parameters (stand-in for the TRT PFN engine: linear 9->64 + relu + max over points)
    W = (jax.random.normal(k4, (RAW_F + 5, C), dtype=jnp.float32) * 0.05)
    b = (jax.random.normal(k5, (C,), dtype=jnp.float32) * 0.05)
    return {"voxels": voxels, "num_points_per_voxel": num_points_per_voxel,
            "coordinates": coordinates, "W": W, "b": b}


def reference(voxels, num_points_per_voxel, coordinates, W, b):
    npv = num_points_per_voxel.astype(voxels.dtype)
    points_mean = voxels[:, :, :3].sum(axis=1, keepdims=True) / npv.reshape(-1, 1, 1)
    f_cluster = voxels[:, :, :3] - points_mean
    cx = voxels[:, :, 0] - (coordinates[:, 0].astype(jnp.float32)[:, None] * VX + X_OFF)
    cy = voxels[:, :, 1] - (coordinates[:, 1].astype(jnp.float32)[:, None] * VY + Y_OFF)
    f_center = jnp.stack([cx, cy], axis=-1)
    features = jnp.concatenate([voxels, f_cluster, f_center], axis=-1)
    pt_ids = jnp.arange(MAXPTS, dtype=jnp.int32).reshape(1, -1)
    mask = (num_points_per_voxel[:, None] > pt_ids).astype(features.dtype)[:, :, None]
    features = features * mask
    # PFN: pointwise linear + relu + max over points -> per-pillar feature [P, C]
    pfn_out = jax.nn.relu(features @ W + b)
    voxel_features = pfn_out.max(axis=1)
    # PointPillarsScatter: scatter pillar features into dense BEV canvas (overwrite)
    indices = (coordinates[:, 0] * NY + coordinates[:, 1]).astype(jnp.int32)
    canvas = jnp.zeros((C, NX * NY), dtype=voxel_features.dtype)
    canvas = canvas.at[:, indices].set(voxel_features.T)
    return canvas

if __name__ == "__main__":
    import jax
    _d = setup_inputs()
    print(jax.jit(kernel)(*tuple(_d.values())))

</pallas_src>

<mosaic_0001>
#map = affine_map<(d0, d1) -> (0, 0)>
#map1 = affine_map<(d0, d1) -> (0, 0, 0)>
module attributes {stable_mosaic.version = 14 : i64} {
  func.func @_sc_move_body(%arg0: i32, %arg1: i32, %arg2: memref<16000x128xf32, #tpu.memory_space<hbm>>, %arg3: memref<32x126x128xi32, #tpu.memory_space<hbm>>, %arg4: memref<32x126x128xi32, #tpu.memory_space<hbm>>, %arg5: memref<32x16xi32, #tpu.memory_space<hbm>>, %arg6: memref<262208x128xf32, #tpu.memory_space<hbm>>, %arg7: memref<126x128xi32, #tpu.memory_space<vmem>>, %arg8: memref<126x128xi32, #tpu.memory_space<vmem>>, %arg9: memref<16xi32, #tpu.memory_space<vmem>>, %arg10: memref<128x128xf32, #tpu.memory_space<vmem>>, %arg11: memref<!tpu.dma_semaphore, #tpu.memory_space<semaphore_mem>>, %arg12: memref<!tpu.dma_semaphore, #tpu.memory_space<semaphore_mem>>) attributes {dimension_semantics = [#tpu.dimension_semantics<core_parallel>, #tpu.dimension_semantics<subcore_parallel>], iteration_bounds = array<i64: 2, 16>, scalar_prefetch = 0 : i64, scratch_operands = 6 : i64, tpu.core_type = #tpu.core_type<sc_vector_subcore>, window_params = [{transform_indices = #map}, {transform_indices = #map1}, {transform_indices = #map1}, {transform_indices = #map}, {transform_indices = #map}]} {
    %mul3A = arith.constant 2 : i32
    %mul3A_0 = arith.muli %arg1, %mul3A : i32
    %add3A = arith.addi %mul3A_0, %arg0 : i32
    "tpu.region"() ({
      %run_scoped3A = tpu.sem_alloc : memref<!tpu.dma_semaphore, #tpu.memory_space<semaphore_mem>>
      %dma_start3A = arith.constant 0 : i32
      %dma_start3A_40 = arith.constant 0 : i32
      %dma_start3A_41 = tpu.memref_slice %arg3[%add3A, %dma_start3A, %dma_start3A_40] : memref<32x126x128xi32, #tpu.memory_space<hbm>> -> memref<1x126x128xi32, #tpu.memory_space<hbm>>
      %dma_start3A_42 = tpu.memref_squeeze %dma_start3A_41 : memref<1x126x128xi32, #tpu.memory_space<hbm>> -> memref<126x128xi32, #tpu.memory_space<hbm>>
      %dma_start3A_43 = arith.constant 0 : i32
      %dma_start3A_44 = arith.constant 0 : i32
      %dma_start3A_45 = tpu.memref_slice %arg3[%add3A, %dma_start3A_43, %dma_start3A_44] : memref<32x126x128xi32, #tpu.memory_space<hbm>> -> memref<1x126x128xi32, #tpu.memory_space<hbm>>
      %dma_start3A_46 = tpu.memref_squeeze %dma_start3A_45 : memref<1x126x128xi32, #tpu.memory_space<hbm>> -> memref<126x128xi32, #tpu.memory_space<hbm>>
      tpu.enqueue_dma source(%dma_start3A_46 : memref<126x128xi32, #tpu.memory_space<hbm>>) target(%arg7 : memref<126x128xi32, #tpu.memory_space<vmem>>) target_semaphore(%run_scoped3A : memref<!tpu.dma_semaphore, #tpu.memory_space<semaphore_mem>>)
      %dma_wait3A = arith.constant 0 : i32
      %dma_wait3A_47 = arith.constant 0 : i32
      %dma_wait3A_48 = tpu.memref_slice %arg3[%add3A, %dma_wait3A, %dma_wait3A_47] : memref<32x126x128xi32, #tpu.memory_space<hbm>> -> memref<1x126x128xi32, #tpu.memory_space<hbm>>
      %dma_wait3A_49 = tpu.memref_squeeze %dma_wait3A_48 : memref<1x126x128xi32, #tpu.memory_space<hbm>> -> memref<126x128xi32, #tpu.memory_space<hbm>>
      %dma_wait3A_50 = arith.constant 0 : i32
      %dma_wait3A_51 = arith.constant 0 : i32
      %dma_wait3A_52 = tpu.memref_slice %arg3[%add3A, %dma_wait3A_50, %dma_wait3A_51] : memref<32x126x128xi32, #tpu.memory_space<hbm>> -> memref<1x126x128xi32, #tpu.memory_space<hbm>>
      %dma_wait3A_53 = tpu.memref_squeeze %dma_wait3A_52 : memref<1x126x128xi32, #tpu.memory_space<hbm>> -> memref<126x128xi32, #tpu.memory_space<hbm>>
      tpu.wait_dma2 semaphore(%run_scoped3A : memref<!tpu.dma_semaphore, #tpu.memory_space<semaphore_mem>>) src(%dma_wait3A_53 : memref<126x128xi32, #tpu.memory_space<hbm>>) dst(%arg7 : memref<126x128xi32, #tpu.memory_space<vmem>>)
      tpu.yield
    }) : () -> ()
    "tpu.region"() ({
      %run_scoped3A = tpu.sem_alloc : memref<!tpu.dma_semaphore, #tpu.memory_space<semaphore_mem>>
      %dma_start3A = arith.constant 0 : i32
      %dma_start3A_40 = arith.constant 0 : i32
      %dma_start3A_41 = tpu.memref_slice %arg4[%add3A, %dma_start3A, %dma_start3A_40] : memref<32x126x128xi32, #tpu.memory_space<hbm>> -> memref<1x126x128xi32, #tpu.memory_space<hbm>>
      %dma_start3A_42 = tpu.memref_squeeze %dma_start3A_41 : memref<1x126x128xi32, #tpu.memory_space<hbm>> -> memref<126x128xi32, #tpu.memory_space<hbm>>
      %dma_start3A_43 = arith.constant 0 : i32
      %dma_start3A_44 = arith.constant 0 : i32
      %dma_start3A_45 = tpu.memref_slice %arg4[%add3A, %dma_start3A_43, %dma_start3A_44] : memref<32x126x128xi32, #tpu.memory_space<hbm>> -> memref<1x126x128xi32, #tpu.memory_space<hbm>>
      %dma_start3A_46 = tpu.memref_squeeze %dma_start3A_45 : memref<1x126x128xi32, #tpu.memory_space<hbm>> -> memref<126x128xi32, #tpu.memory_space<hbm>>
      tpu.enqueue_dma source(%dma_start3A_46 : memref<126x128xi32, #tpu.memory_space<hbm>>) target(%arg8 : memref<126x128xi32, #tpu.memory_space<vmem>>) target_semaphore(%run_scoped3A : memref<!tpu.dma_semaphore, #tpu.memory_space<semaphore_mem>>)
      %dma_wait3A = arith.constant 0 : i32
      %dma_wait3A_47 = arith.constant 0 : i32
      %dma_wait3A_48 = tpu.memref_slice %arg4[%add3A, %dma_wait3A, %dma_wait3A_47] : memref<32x126x128xi32, #tpu.memory_space<hbm>> -> memref<1x126x128xi32, #tpu.memory_space<hbm>>
      %dma_wait3A_49 = tpu.memref_squeeze %dma_wait3A_48 : memref<1x126x128xi32, #tpu.memory_space<hbm>> -> memref<126x128xi32, #tpu.memory_space<hbm>>
      %dma_wait3A_50 = arith.constant 0 : i32
      %dma_wait3A_51 = arith.constant 0 : i32
      %dma_wait3A_52 = tpu.memref_slice %arg4[%add3A, %dma_wait3A_50, %dma_wait3A_51] : memref<32x126x128xi32, #tpu.memory_space<hbm>> -> memref<1x126x128xi32, #tpu.memory_space<hbm>>
      %dma_wait3A_53 = tpu.memref_squeeze %dma_wait3A_52 : memref<1x126x128xi32, #tpu.memory_space<hbm>> -> memref<126x128xi32, #tpu.memory_space<hbm>>
      tpu.wait_dma2 semaphore(%run_scoped3A : memref<!tpu.dma_semaphore, #tpu.memory_space<semaphore_mem>>) src(%dma_wait3A_53 : memref<126x128xi32, #tpu.memory_space<hbm>>) dst(%arg8 : memref<126x128xi32, #tpu.memory_space<vmem>>)
      tpu.yield
    }) : () -> ()
    "tpu.region"() ({
      %run_scoped3A = tpu.sem_alloc : memref<!tpu.dma_semaphore, #tpu.memory_space<semaphore_mem>>
      %dma_start3A = arith.constant 0 : i32
      %dma_start3A_40 = tpu.memref_slice %arg5[%add3A, %dma_start3A] : memref<32x16xi32, #tpu.memory_space<hbm>> -> memref<1x16xi32, #tpu.memory_space<hbm>>
      %dma_start3A_41 = tpu.memref_squeeze %dma_start3A_40 : memref<1x16xi32, #tpu.memory_space<hbm>> -> memref<16xi32, #tpu.memory_space<hbm>>
      %dma_start3A_42 = arith.constant 0 : i32
      %dma_start3A_43 = tpu.memref_slice %arg5[%add3A, %dma_start3A_42] : memref<32x16xi32, #tpu.memory_space<hbm>> -> memref<1x16xi32, #tpu.memory_space<hbm>>
      %dma_start3A_44 = tpu.memref_squeeze %dma_start3A_43 : memref<1x16xi32, #tpu.memory_space<hbm>> -> memref<16xi32, #tpu.memory_space<hbm>>
      tpu.enqueue_dma source(%dma_start3A_44 : memref<16xi32, #tpu.memory_space<hbm>>) target(%arg9 : memref<16xi32, #tpu.memory_space<vmem>>) target_semaphore(%run_scoped3A : memref<!tpu.dma_semaphore, #tpu.memory_space<semaphore_mem>>)
      %dma_wait3A = arith.constant 0 : i32
      %dma_wait3A_45 = tpu.memref_slice %arg5[%add3A, %dma_wait3A] : memref<32x16xi32, #tpu.memory_space<hbm>> -> memref<1x16xi32, #tpu.memory_space<hbm>>
      %dma_wait3A_46 = tpu.memref_squeeze %dma_wait3A_45 : memref<1x16xi32, #tpu.memory_space<hbm>> -> memref<16xi32, #tpu.memory_space<hbm>>
      %dma_wait3A_47 = arith.constant 0 : i32
      %dma_wait3A_48 = tpu.memref_slice %arg5[%add3A, %dma_wait3A_47] : memref<32x16xi32, #tpu.memory_space<hbm>> -> memref<1x16xi32, #tpu.memory_space<hbm>>
      %dma_wait3A_49 = tpu.memref_squeeze %dma_wait3A_48 : memref<1x16xi32, #tpu.memory_space<hbm>> -> memref<16xi32, #tpu.memory_space<hbm>>
      tpu.wait_dma2 semaphore(%run_scoped3A : memref<!tpu.dma_semaphore, #tpu.memory_space<semaphore_mem>>) src(%dma_wait3A_49 : memref<16xi32, #tpu.memory_space<hbm>>) dst(%arg9 : memref<16xi32, #tpu.memory_space<vmem>>)
      tpu.yield
    }) : () -> ()
    %get3A = arith.constant 0 : index
    %get3A_1 = tpu.vector_load %arg9[%get3A] {strides = array<i32>} : memref<16xi32, #tpu.memory_space<vmem>>, vector<16xi32>,
    %reduce_max3A = arith.constant true
    %reduce_max3A_2 = vector.broadcast %reduce_max3A : i1 to vector<16xi1>
    %reduce_max3A_3 = arith.constant -2147483648 : i32
    %reduce_max3A_4 = vector.broadcast %reduce_max3A_3 : i32 to vector<16xi32>
    %reduce_max3A_5 = arith.xori %get3A_1, %reduce_max3A_4 : vector<16xi32>
    %reduce_max3A_6 = tpu.scan <max>, %reduce_max3A_5 masked %reduce_max3A_2 : vector<16xi32>, vector<16xi1> -> vector<16xi32>
    %reduce_max3A_7 = arith.xori %reduce_max3A_6, %reduce_max3A_4 : vector<16xi32>
    %reduce_max3A_8 = vector.extract %reduce_max3A_7[15] : i32 from vector<16xi32>
    %add3A_9 = arith.constant 128 : i32
    %add3A_10 = arith.addi %reduce_max3A_8, %add3A_9 : i32
    %sub3A = arith.constant 1 : i32
    %sub3A_11 = arith.subi %add3A_10, %sub3A : i32
    %jit3A = arith.constant 128 : i32
    %div3A = arith.divsi %sub3A_11, %jit3A : i32
    %sign3A = arith.constant 0 : i32
    %sign3A_12 = arith.cmpi sgt, %sub3A_11, %sign3A : i32
    %sign3A_13 = arith.extui %sign3A_12 : i1 to i32
    %sign3A_14 = arith.constant 0 : i32
    %sign3A_15 = arith.cmpi slt, %sub3A_11, %sign3A_14 : i32
    %sign3A_16 = arith.extui %sign3A_15 : i1 to i32
    %sign3A_17 = arith.subi %sign3A_13, %sign3A_16 : i32
    %sign3A_18 = arith.constant 0 : i32
    %sign3A_19 = arith.cmpi sgt, %jit3A, %sign3A_18 : i32
    %sign3A_20 = arith.extui %sign3A_19 : i1 to i32
    %sign3A_21 = arith.constant 0 : i32
    %sign3A_22 = arith.cmpi slt, %jit3A, %sign3A_21 : i32
    %sign3A_23 = arith.extui %sign3A_22 : i1 to i32
    %sign3A_24 = arith.subi %sign3A_20, %sign3A_23 : i32
    %ne3A = arith.cmpi ne, %sign3A_17, %sign3A_24 : i32
    %rem3A = arith.remsi %sub3A_11, %jit3A : i32
    %ne3A_25 = arith.constant 0 : i32
    %ne3A_26 = arith.cmpi ne, %rem3A, %ne3A_25 : i32
    %and3A = arith.andi %ne3A, %ne3A_26 : i1
    %sub3A_27 = arith.constant 1 : i32
    %sub3A_28 = arith.subi %div3A, %sub3A_27 : i32
    %select_n3A = arith.select %and3A, %sub3A_28, %div3A : i32
    %while3A = arith.constant 0 : i32
    %while3A_29 = arith.constant 0 : i32
    %while3A_30 = arith.subi %select_n3A, %while3A : i32
    %while3A_31 = arith.addi %while3A, %while3A_30 : i32
    %while3A_32 = arith.constant 1 : i32
    %while3A_33 = arith.divsi %while3A_30, %while3A_32 : i32
    %while3A_34 = arith.muli %while3A_33, %while3A_32 : i32
    %while3A_35 = arith.addi %while3A, %while3A_34 : i32
    %while3A_36 = arith.constant 1 : i32
    %while3A_37 = scf.for %while3A_40 = %while3A to %while3A_35 step %while3A_36 iter_args(%while3A_41 = %while3A_29) -> (i32)  : i32 {
      %dma_start3A = arith.constant 0 : i32
      %dma_start3A_42 = tpu.memref_slice %arg7[%while3A_40, %dma_start3A] : memref<126x128xi32, #tpu.memory_space<vmem>> -> memref<1x128xi32, #tpu.memory_space<vmem>>
      %dma_start3A_43 = tpu.memref_squeeze %dma_start3A_42 : memref<1x128xi32, #tpu.memory_space<vmem>> -> memref<128xi32, #tpu.memory_space<vmem>>
      %dma_start3A_44 = arith.constant 0 : i32
      %dma_start3A_45 = arith.constant 0 : i32
      %dma_start3A_46 = tpu.memref_slice %arg2[%dma_start3A_44, %dma_start3A_45] : memref<16000x128xf32, #tpu.memory_space<hbm>> -> memref<16000x128xf32, #tpu.memory_space<hbm>>
      tpu.enqueue_indirect_dma source(%dma_start3A_46 : memref<16000x128xf32, #tpu.memory_space<hbm>>) target(%arg10 : memref<128x128xf32, #tpu.memory_space<vmem>>) offsets(%dma_start3A_43 : memref<128xi32, #tpu.memory_space<vmem>>) semaphore(%arg11 : memref<!tpu.dma_semaphore, #tpu.memory_space<semaphore_mem>>)
      %dma_wait3A = arith.constant 0 : i32
      %dma_wait3A_47 = tpu.memref_slice %arg7[%while3A_40, %dma_wait3A] : memref<126x128xi32, #tpu.memory_space<vmem>> -> memref<1x128xi32, #tpu.memory_space<vmem>>
      %dma_wait3A_48 = tpu.memref_squeeze %dma_wait3A_47 : memref<1x128xi32, #tpu.memory_space<vmem>> -> memref<128xi32, #tpu.memory_space<vmem>>
      %dma_wait3A_49 = arith.constant 0 : i32
      %dma_wait3A_50 = arith.constant 0 : i32
      %dma_wait3A_51 = tpu.memref_slice %arg2[%dma_wait3A_49, %dma_wait3A_50] : memref<16000x128xf32, #tpu.memory_space<hbm>> -> memref<16000x128xf32, #tpu.memory_space<hbm>>
      tpu.wait_indirect_dma semaphore(%arg11 : memref<!tpu.dma_semaphore, #tpu.memory_space<semaphore_mem>>) src(%dma_wait3A_51 : memref<16000x128xf32, #tpu.memory_space<hbm>>) dst(%arg10 : memref<128x128xf32, #tpu.memory_space<vmem>>)
      %dma_start3A_52 = arith.constant 0 : i32
      %dma_start3A_53 = tpu.memref_slice %arg8[%while3A_40, %dma_start3A_52] : memref<126x128xi32, #tpu.memory_space<vmem>> -> memref<1x128xi32, #tpu.memory_space<vmem>>
      %dma_start3A_54 = tpu.memref_squeeze %dma_start3A_53 : memref<1x128xi32, #tpu.memory_space<vmem>> -> memref<128xi32, #tpu.memory_space<vmem>>
      %dma_start3A_55 = arith.constant 0 : i32
      %dma_start3A_56 = arith.constant 0 : i32
      %dma_start3A_57 = tpu.memref_slice %arg6[%dma_start3A_55, %dma_start3A_56] : memref<262208x128xf32, #tpu.memory_space<hbm>> -> memref<262208x128xf32, #tpu.memory_space<hbm>>
      tpu.enqueue_indirect_dma source(%arg10 : memref<128x128xf32, #tpu.memory_space<vmem>>) target(%dma_start3A_57 : memref<262208x128xf32, #tpu.memory_space<hbm>>) offsets(%dma_start3A_54 : memref<128xi32, #tpu.memory_space<vmem>>) semaphore(%arg12 : memref<!tpu.dma_semaphore, #tpu.memory_space<semaphore_mem>>)
      %dma_wait3A_58 = arith.constant 0 : i32
      %dma_wait3A_59 = tpu.memref_slice %arg8[%while3A_40, %dma_wait3A_58] : memref<126x128xi32, #tpu.memory_space<vmem>> -> memref<1x128xi32, #tpu.memory_space<vmem>>
      %dma_wait3A_60 = tpu.memref_squeeze %dma_wait3A_59 : memref<1x128xi32, #tpu.memory_space<vmem>> -> memref<128xi32, #tpu.memory_space<vmem>>
      %dma_wait3A_61 = arith.constant 0 : i32
      %dma_wait3A_62 = arith.constant 0 : i32
      %dma_wait3A_63 = tpu.memref_slice %arg6[%dma_wait3A_61, %dma_wait3A_62] : memref<262208x128xf32, #tpu.memory_space<hbm>> -> memref<262208x128xf32, #tpu.memory_space<hbm>>
      tpu.wait_indirect_dma semaphore(%arg12 : memref<!tpu.dma_semaphore, #tpu.memory_space<semaphore_mem>>) src(%arg10 : memref<128x128xf32, #tpu.memory_space<vmem>>) dst(%dma_wait3A_63 : memref<262208x128xf32, #tpu.memory_space<hbm>>)
      %while3A_64 = arith.constant 0 : i32
      scf.yield %while3A_64 : i32
    }
    %while3A_38 = arith.constant 1 : i32
    %while3A_39 = scf.for %while3A_40 = %while3A_35 to %while3A_31 step %while3A_38 iter_args(%while3A_41 = %while3A_37) -> (i32)  : i32 {
      %dma_start3A = arith.constant 0 : i32
      %dma_start3A_42 = tpu.memref_slice %arg7[%while3A_40, %dma_start3A] : memref<126x128xi32, #tpu.memory_space<vmem>> -> memref<1x128xi32, #tpu.memory_space<vmem>>
      %dma_start3A_43 = tpu.memref_squeeze %dma_start3A_42 : memref<1x128xi32, #tpu.memory_space<vmem>> -> memref<128xi32, #tpu.memory_space<vmem>>
      %dma_start3A_44 = arith.constant 0 : i32
      %dma_start3A_45 = arith.constant 0 : i32
      %dma_start3A_46 = tpu.memref_slice %arg2[%dma_start3A_44, %dma_start3A_45] : memref<16000x128xf32, #tpu.memory_space<hbm>> -> memref<16000x128xf32, #tpu.memory_space<hbm>>
      tpu.enqueue_indirect_dma source(%dma_start3A_46 : memref<16000x128xf32, #tpu.memory_space<hbm>>) target(%arg10 : memref<128x128xf32, #tpu.memory_space<vmem>>) offsets(%dma_start3A_43 : memref<128xi32, #tpu.memory_space<vmem>>) semaphore(%arg11 : memref<!tpu.dma_semaphore, #tpu.memory_space<semaphore_mem>>)
      %dma_wait3A = arith.constant 0 : i32
      %dma_wait3A_47 = tpu.memref_slice %arg7[%while3A_40, %dma_wait3A] : memref<126x128xi32, #tpu.memory_space<vmem>> -> memref<1x128xi32, #tpu.memory_space<vmem>>
      %dma_wait3A_48 = tpu.memref_squeeze %dma_wait3A_47 : memref<1x128xi32, #tpu.memory_space<vmem>> -> memref<128xi32, #tpu.memory_space<vmem>>
      %dma_wait3A_49 = arith.constant 0 : i32
      %dma_wait3A_50 = arith.constant 0 : i32
      %dma_wait3A_51 = tpu.memref_slice %arg2[%dma_wait3A_49, %dma_wait3A_50] : memref<16000x128xf32, #tpu.memory_space<hbm>> -> memref<16000x128xf32, #tpu.memory_space<hbm>>
      tpu.wait_indirect_dma semaphore(%arg11 : memref<!tpu.dma_semaphore, #tpu.memory_space<semaphore_mem>>) src(%dma_wait3A_51 : memref<16000x128xf32, #tpu.memory_space<hbm>>) dst(%arg10 : memref<128x128xf32, #tpu.memory_space<vmem>>)
      %dma_start3A_52 = arith.constant 0 : i32
      %dma_start3A_53 = tpu.memref_slice %arg8[%while3A_40, %dma_start3A_52] : memref<126x128xi32, #tpu.memory_space<vmem>> -> memref<1x128xi32, #tpu.memory_space<vmem>>
      %dma_start3A_54 = tpu.memref_squeeze %dma_start3A_53 : memref<1x128xi32, #tpu.memory_space<vmem>> -> memref<128xi32, #tpu.memory_space<vmem>>
      %dma_start3A_55 = arith.constant 0 : i32
      %dma_start3A_56 = arith.constant 0 : i32
      %dma_start3A_57 = tpu.memref_slice %arg6[%dma_start3A_55, %dma_start3A_56] : memref<262208x128xf32, #tpu.memory_space<hbm>> -> memref<262208x128xf32, #tpu.memory_space<hbm>>
      tpu.enqueue_indirect_dma source(%arg10 : memref<128x128xf32, #tpu.memory_space<vmem>>) target(%dma_start3A_57 : memref<262208x128xf32, #tpu.memory_space<hbm>>) offsets(%dma_start3A_54 : memref<128xi32, #tpu.memory_space<vmem>>) semaphore(%arg12 : memref<!tpu.dma_semaphore, #tpu.memory_space<semaphore_mem>>)
      %dma_wait3A_58 = arith.constant 0 : i32
      %dma_wait3A_59 = tpu.memref_slice %arg8[%while3A_40, %dma_wait3A_58] : memref<126x128xi32, #tpu.memory_space<vmem>> -> memref<1x128xi32, #tpu.memory_space<vmem>>
      %dma_wait3A_60 = tpu.memref_squeeze %dma_wait3A_59 : memref<1x128xi32, #tpu.memory_space<vmem>> -> memref<128xi32, #tpu.memory_space<vmem>>
      %dma_wait3A_61 = arith.constant 0 : i32
      %dma_wait3A_62 = arith.constant 0 : i32
      %dma_wait3A_63 = tpu.memref_slice %arg6[%dma_wait3A_61, %dma_wait3A_62] : memref<262208x128xf32, #tpu.memory_space<hbm>> -> memref<262208x128xf32, #tpu.memory_space<hbm>>
      tpu.wait_indirect_dma semaphore(%arg12 : memref<!tpu.dma_semaphore, #tpu.memory_space<semaphore_mem>>) src(%arg10 : memref<128x128xf32, #tpu.memory_space<vmem>>) dst(%dma_wait3A_63 : memref<262208x128xf32, #tpu.memory_space<hbm>>)
      %while3A_64 = arith.constant 0 : i32
      scf.yield %while3A_64 : i32
    }
    return
  }
}

#map = affine_map<(d0, d1) -> (0)>
#map1 = affine_map<(d0, d1) -> (0, 0, 0)>
#map2 = affine_map<(d0, d1) -> (0, 0)>
module attributes {stable_mosaic.version = 14 : i64} {
  func.func @_sc_dedup_body(%arg0: i32, %arg1: i32, %arg2: memref<32000xi32, #tpu.memory_space<hbm>>, %arg3: memref<262144xi32, #tpu.memory_space<hbm>>, %arg4: memref<32x126x128xi32, #tpu.memory_space<hbm>>, %arg5: memref<32x126x128xi32, #tpu.memory_space<hbm>>, %arg6: memref<32x16xi32, #tpu.memory_space<hbm>>, %arg7: memref<48000xi32, #tpu.memory_space<vmem>>, %arg8: memref<8192xi32, #tpu.memory_space<vmem>>, %arg9: memref<126x128xi32, #tpu.memory_space<vmem>>, %arg10: memref<126x128xi32, #tpu.memory_space<vmem>>, %arg11: memref<16xi32, #tpu.memory_space<vmem>>) attributes {dimension_semantics = [#tpu.dimension_semantics<core_parallel>, #tpu.dimension_semantics<subcore_parallel>], iteration_bounds = array<i64: 2, 16>, scalar_prefetch = 0 : i64, scratch_operands = 5 : i64, tpu.core_type = #tpu.core_type<sc_vector_subcore>, window_params = [{transform_indices = #map}, {transform_indices = #map}, {transform_indices = #map1}, {transform_indices = #map1}, {transform_indices = #map2}]} {
    %mul3A = arith.constant 2 : i32
    %mul3A_0 = arith.muli %arg1, %mul3A : i32
    %add3A = arith.addi %mul3A_0, %arg0 : i32
    %mul3A_1 = arith.constant 8192 : i32
    %mul3A_2 = arith.muli %add3A, %mul3A_1 : i32
    %iota3A = tpu.iota {dimensions = array<i32: 0>} : vector<16xi32>
    "tpu.region"() ({
      %run_scoped3A = tpu.sem_alloc : memref<!tpu.dma_semaphore, #tpu.memory_space<semaphore_mem>>
      %dma_start3A = arith.constant 0 : i32
      %dma_start3A_38 = tpu.memref_slice %arg7[%dma_start3A] : memref<48000xi32, #tpu.memory_space<vmem>> -> memref<32000xi32, #tpu.memory_space<vmem>>
      %dma_start3A_39 = arith.constant 0 : i32
      %dma_start3A_40 = tpu.memref_slice %arg7[%dma_start3A_39] : memref<48000xi32, #tpu.memory_space<vmem>> -> memref<32000xi32, #tpu.memory_space<vmem>>
      tpu.enqueue_dma source(%arg2 : memref<32000xi32, #tpu.memory_space<hbm>>) target(%dma_start3A_40 : memref<32000xi32, #tpu.memory_space<vmem>>) target_semaphore(%run_scoped3A : memref<!tpu.dma_semaphore, #tpu.memory_space<semaphore_mem>>)
      %dma_wait3A = arith.constant 0 : i32
      %dma_wait3A_41 = tpu.memref_slice %arg7[%dma_wait3A] : memref<48000xi32, #tpu.memory_space<vmem>> -> memref<32000xi32, #tpu.memory_space<vmem>>
      %dma_wait3A_42 = arith.constant 0 : i32
      %dma_wait3A_43 = tpu.memref_slice %arg7[%dma_wait3A_42] : memref<48000xi32, #tpu.memory_space<vmem>> -> memref<32000xi32, #tpu.memory_space<vmem>>
      tpu.wait_dma2 semaphore(%run_scoped3A : memref<!tpu.dma_semaphore, #tpu.memory_space<semaphore_mem>>) src(%arg2 : memref<32000xi32, #tpu.memory_space<hbm>>) dst(%dma_wait3A_43 : memref<32000xi32, #tpu.memory_space<vmem>>)
      tpu.yield
    }) : () -> ()
    %scan3A = arith.constant 0 : i32
    %scan3A_3 = arith.constant 0 : i32
    %scan3A_4 = arith.constant 512 : i32
    %scan3A_5 = arith.addi %scan3A_3, %scan3A_4 : i32
    %scan3A_6 = arith.constant 4 : i32
    %scan3A_7 = scf.for %scan3A_38 = %scan3A_3 to %scan3A_5 step %scan3A_6 iter_args(%scan3A_39 = %scan3A) -> (i32)  : i32 {
      %broadcast_in_dim3A_40 = arith.constant -1 : i32
      %broadcast_in_dim3A_41 = vector.broadcast %broadcast_in_dim3A_40 : i32 to vector<16xi32>
      %mul3A_42 = arith.constant 16 : i32
      %mul3A_43 = arith.muli %scan3A_38, %mul3A_42 : i32
      %swap3A_44 = arith.index_cast %mul3A_43 : i32 to index
      %swap3A_45 = tpu.vector_load %arg8[%swap3A_44] {strides = array<i32>} : memref<8192xi32, #tpu.memory_space<vmem>>, vector<16xi32>,
      tpu.vector_store %arg8[%swap3A_44], %broadcast_in_dim3A_41 {strides = array<i32>} : memref<8192xi32, #tpu.memory_space<vmem>>, vector<16xi32>,
      %scan3A_46 = arith.constant 0 : i32
      %scan3A_47 = arith.constant 1 : i32
      %scan3A_48 = arith.addi %scan3A_38, %scan3A_47 : i32
      %broadcast_in_dim3A_49 = arith.constant -1 : i32
      %broadcast_in_dim3A_50 = vector.broadcast %broadcast_in_dim3A_49 : i32 to vector<16xi32>
      %mul3A_51 = arith.constant 16 : i32
      %mul3A_52 = arith.muli %scan3A_48, %mul3A_51 : i32
      %swap3A_53 = arith.index_cast %mul3A_52 : i32 to index
      %swap3A_54 = tpu.vector_load %arg8[%swap3A_53] {strides = array<i32>} : memref<8192xi32, #tpu.memory_space<vmem>>, vector<16xi32>,
      tpu.vector_store %arg8[%swap3A_53], %broadcast_in_dim3A_50 {strides = array<i32>} : memref<8192xi32, #tpu.memory_space<vmem>>, vector<16xi32>,
      %scan3A_55 = arith.constant 0 : i32
      %scan3A_56 = arith.constant 2 : i32
      %scan3A_57 = arith.addi %scan3A_38, %scan3A_56 : i32
      %broadcast_in_dim3A_58 = arith.constant -1 : i32
      %broadcast_in_dim3A_59 = vector.broadcast %broadcast_in_dim3A_58 : i32 to vector<16xi32>
      %mul3A_60 = arith.constant 16 : i32
      %mul3A_61 = arith.muli %scan3A_57, %mul3A_60 : i32
      %swap3A_62 = arith.index_cast %mul3A_61 : i32 to index
      %swap3A_63 = tpu.vector_load %arg8[%swap3A_62] {strides = array<i32>} : memref<8192xi32, #tpu.memory_space<vmem>>, vector<16xi32>,
      tpu.vector_store %arg8[%swap3A_62], %broadcast_in_dim3A_59 {strides = array<i32>} : memref<8192xi32, #tpu.memory_space<vmem>>, vector<16xi32>,
      %scan3A_64 = arith.constant 0 : i32
      %scan3A_65 = arith.constant 3 : i32
      %scan3A_66 = arith.addi %scan3A_38, %scan3A_65 : i32
      %broadcast_in_dim3A_67 = arith.constant -1 : i32
      %broadcast_in_dim3A_68 = vector.broadcast %broadcast_in_dim3A_67 : i32 to vector<16xi32>
      %mul3A_69 = arith.constant 16 : i32
      %mul3A_70 = arith.muli %scan3A_66, %mul3A_69 : i32
      %swap3A_71 = arith.index_cast %mul3A_70 : i32 to index
      %swap3A_72 = tpu.vector_load %arg8[%swap3A_71] {strides = array<i32>} : memref<8192xi32, #tpu.memory_space<vmem>>, vector<16xi32>,
      tpu.vector_store %arg8[%swap3A_71], %broadcast_in_dim3A_68 {strides = array<i32>} : memref<8192xi32, #tpu.memory_space<vmem>>, vector<16xi32>,
      %scan3A_73 = arith.constant 0 : i32
      scf.yield %scan3A_73 : i32
    }
    %scan3A_8 = arith.constant 512 : i32
    %scan3A_9 = arith.constant 0 : i32
    %scan3A_10 = arith.constant 0 : i32
    %scan3A_11 = arith.constant 1000 : i32
    %scan3A_12 = arith.addi %scan3A_10, %scan3A_11 : i32
    %scan3A_13 = arith.constant 2 : i32
    %scan3A_14 = scf.for %scan3A_38 = %scan3A_10 to %scan3A_12 step %scan3A_13 iter_args(%scan3A_39 = %scan3A_9) -> (i32)  : i32 {
      %mul3A_40 = arith.constant 16 : i32
      %mul3A_41 = arith.muli %scan3A_38, %mul3A_40 : i32
      %add3A_42 = vector.broadcast %mul3A_41 : i32 to vector<16xi32>
      %add3A_43 = arith.addi %add3A_42, %iota3A : vector<16xi32>
      %mul3A_44 = arith.constant 2 : i32
      %mul3A_45 = vector.broadcast %mul3A_44 : i32 to vector<16xi32>
      %mul3A_46 = arith.muli %add3A_43, %mul3A_45 : vector<16xi32>
      %gather3A = tpu.vector_load_idx %arg7[%mul3A_46] : memref<48000xi32, #tpu.memory_space<vmem>>[vector<16xi32>], vector<16xi32>,
      %add3A_47 = arith.constant 1 : i32
      %add3A_48 = vector.broadcast %add3A_47 : i32 to vector<16xi32>
      %add3A_49 = arith.addi %mul3A_46, %add3A_48 : vector<16xi32>
      %gather3A_50 = tpu.vector_load_idx %arg7[%add3A_49] : memref<48000xi32, #tpu.memory_space<vmem>>[vector<16xi32>], vector<16xi32>,
      %mul3A_51 = arith.constant 512 : i32
      %mul3A_52 = vector.broadcast %mul3A_51 : i32 to vector<16xi32>
      %mul3A_53 = arith.muli %gather3A, %mul3A_52 : vector<16xi32>
      %add3A_54 = arith.addi %mul3A_53, %gather3A_50 : vector<16xi32>
      %mul3A_55 = arith.constant 16 : i32
      %mul3A_56 = arith.muli %scan3A_38, %mul3A_55 : i32
      %add3A_57 = arith.constant 32000 : i32
      %add3A_58 = arith.addi %add3A_57, %mul3A_56 : i32
      %add3A_59 = vector.broadcast %add3A_58 : i32 to vector<16xi32>
      %add3A_60 = arith.addi %add3A_59, %iota3A : vector<16xi32>
      tpu.vector_store_idx %arg7[%add3A_60], %add3A_54 : memref<48000xi32, #tpu.memory_space<vmem>>[vector<16xi32>], vector<16xi32>,
      %mul3A_61 = arith.constant 16 : i32
      %mul3A_62 = arith.muli %scan3A_38, %mul3A_61 : i32
      %add3A_63 = vector.broadcast %mul3A_62 : i32 to vector<16xi32>
      %add3A_64 = arith.addi %add3A_63, %iota3A : vector<16xi32>
      %sub3A = vector.broadcast %mul3A_2 : i32 to vector<16xi32>
      %sub3A_65 = arith.subi %add3A_54, %sub3A : vector<16xi32>
      %ge3A = arith.constant 0 : i32
      %ge3A_66 = vector.broadcast %ge3A : i32 to vector<16xi32>
      %ge3A_67 = arith.cmpi sge, %sub3A_65, %ge3A_66 : vector<16xi32>
      %lt3A = arith.constant 8192 : i32
      %lt3A_68 = vector.broadcast %lt3A : i32 to vector<16xi32>
      %lt3A_69 = arith.cmpi slt, %sub3A_65, %lt3A_68 : vector<16xi32>
      %and3A = arith.andi %ge3A_67, %lt3A_69 : vector<16xi1>
      %jit3A = arith.constant 0 : i32
      %jit3A_70 = arith.constant 8191 : i32
      %max3A = vector.broadcast %jit3A : i32 to vector<16xi32>
      %max3A_71 = arith.maxsi %max3A, %sub3A_65 : vector<16xi32>
      %min3A = vector.broadcast %jit3A_70 : i32 to vector<16xi32>
      %min3A_72 = arith.minsi %min3A, %max3A_71 : vector<16xi32>
      tpu.vector_store_idx %arg8[%min3A_72], %add3A_64 masked %and3A : memref<8192xi32, #tpu.memory_space<vmem>>[vector<16xi32>], vector<16xi32>, vector<16xi1>
      %gather3A_73 = tpu.vector_load_idx %arg8[%min3A_72] masked %and3A : memref<8192xi32, #tpu.memory_space<vmem>>[vector<16xi32>], vector<16xi32>, vector<16xi1>
      %lt3A_74 = arith.cmpi slt, %gather3A_73, %add3A_64 : vector<16xi32>
      %and3A_75 = arith.andi %and3A, %lt3A_74 : vector<16xi1>
      %jit3A_76 = arith.constant 1 : i32
      %jit3A_77 = arith.constant 0 : i32
      %broadcast_in_dim3A_78 = vector.broadcast %jit3A_76 : i32 to vector<16xi32>
      %broadcast_in_dim3A_79 = vector.broadcast %jit3A_77 : i32 to vector<16xi32>
      %select_n3A = arith.select %and3A_75, %broadcast_in_dim3A_78, %broadcast_in_dim3A_79 : vector<16xi1>, vector<16xi32>
      %while3A = scf.while (%while3A_134 = %select_n3A) : (vector<16xi32>) -> vector<16xi32> {
        %reduce_max3A_135 = arith.constant true
        %reduce_max3A_136 = vector.broadcast %reduce_max3A_135 : i1 to vector<16xi1>
        %reduce_max3A_137 = arith.constant -2147483648 : i32
        %reduce_max3A_138 = vector.broadcast %reduce_max3A_137 : i32 to vector<16xi32>
        %reduce_max3A_139 = arith.xori %while3A_134, %reduce_max3A_138 : vector<16xi32>
        %reduce_max3A_140 = tpu.scan <max>, %reduce_max3A_139 masked %reduce_max3A_136 : vector<16xi32>, vector<16xi1> -> vector<16xi32>
        %reduce_max3A_141 = arith.xori %reduce_max3A_140, %reduce_max3A_138 : vector<16xi32>
        %reduce_max3A_142 = vector.extract %reduce_max3A_141[15] : i32 from vector<16xi32>
        %gt3A = arith.constant 0 : i32
        %gt3A_143 = arith.cmpi sgt, %reduce_max3A_142, %gt3A : i32
        scf.condition(%gt3A_143) %while3A_134 : vector<16xi32>
      } do {
      ^bb0(%while3A_134: vector<16xi32>):
        %gt3A = arith.constant 0 : i32
        %gt3A_135 = vector.broadcast %gt3A : i32 to vector<16xi32>
        %gt3A_136 = arith.cmpi sgt, %while3A_134, %gt3A_135 : vector<16xi32>
        tpu.vector_store_idx %arg8[%min3A_72], %add3A_64 masked %gt3A_136 : memref<8192xi32, #tpu.memory_space<vmem>>[vector<16xi32>], vector<16xi32>, vector<16xi1>
        %gather3A_137 = tpu.vector_load_idx %arg8[%min3A_72] masked %gt3A_136 : memref<8192xi32, #tpu.memory_space<vmem>>[vector<16xi32>], vector<16xi32>, vector<16xi1>
        %lt3A_138 = arith.cmpi slt, %gather3A_137, %add3A_64 : vector<16xi32>
        %and3A_139 = arith.andi %gt3A_136, %lt3A_138 : vector<16xi1>
        %jit3A_140 = arith.constant 1 : i32
        %jit3A_141 = arith.constant 0 : i32
        %broadcast_in_dim3A_142 = vector.broadcast %jit3A_140 : i32 to vector<16xi32>
        %broadcast_in_dim3A_143 = vector.broadcast %jit3A_141 : i32 to vector<16xi32>
        %select_n3A_144 = arith.select %and3A_139, %broadcast_in_dim3A_142, %broadcast_in_dim3A_143 : vector<16xi1>, vector<16xi32>
        scf.yield %select_n3A_144 : vector<16xi32>
      }
      %scan3A_80 = arith.constant 0 : i32
      %scan3A_81 = arith.constant 1 : i32
      %scan3A_82 = arith.addi %scan3A_38, %scan3A_81 : i32
      %mul3A_83 = arith.constant 16 : i32
      %mul3A_84 = arith.muli %scan3A_82, %mul3A_83 : i32
      %add3A_85 = vector.broadcast %mul3A_84 : i32 to vector<16xi32>
      %add3A_86 = arith.addi %add3A_85, %iota3A : vector<16xi32>
      %mul3A_87 = arith.constant 2 : i32
      %mul3A_88 = vector.broadcast %mul3A_87 : i32 to vector<16xi32>
      %mul3A_89 = arith.muli %add3A_86, %mul3A_88 : vector<16xi32>
      %gather3A_90 = tpu.vector_load_idx %arg7[%mul3A_89] : memref<48000xi32, #tpu.memory_space<vmem>>[vector<16xi32>], vector<16xi32>,
      %add3A_91 = arith.constant 1 : i32
      %add3A_92 = vector.broadcast %add3A_91 : i32 to vector<16xi32>
      %add3A_93 = arith.addi %mul3A_89, %add3A_92 : vector<16xi32>
      %gather3A_94 = tpu.vector_load_idx %arg7[%add3A_93] : memref<48000xi32, #tpu.memory_space<vmem>>[vector<16xi32>], vector<16xi32>,
      %mul3A_95 = arith.constant 512 : i32
      %mul3A_96 = vector.broadcast %mul3A_95 : i32 to vector<16xi32>
      %mul3A_97 = arith.muli %gather3A_90, %mul3A_96 : vector<16xi32>
      %add3A_98 = arith.addi %mul3A_97, %gather3A_94 : vector<16xi32>
      %mul3A_99 = arith.constant 16 : i32
      %mul3A_100 = arith.muli %scan3A_82, %mul3A_99 : i32
      %add3A_101 = arith.constant 32000 : i32
      %add3A_102 = arith.addi %add3A_101, %mul3A_100 : i32
      %add3A_103 = vector.broadcast %add3A_102 : i32 to vector<16xi32>
      %add3A_104 = arith.addi %add3A_103, %iota3A : vector<16xi32>
      tpu.vector_store_idx %arg7[%add3A_104], %add3A_98 : memref<48000xi32, #tpu.memory_space<vmem>>[vector<16xi32>], vector<16xi32>,
      %mul3A_105 = arith.constant 16 : i32
      %mul3A_106 = arith.muli %scan3A_82, %mul3A_105 : i32
      %add3A_107 = vector.broadcast %mul3A_106 : i32 to vector<16xi32>
      %add3A_108 = arith.addi %add3A_107, %iota3A : vector<16xi32>
      %sub3A_109 = vector.broadcast %mul3A_2 : i32 to vector<16xi32>
      %sub3A_110 = arith.subi %add3A_98, %sub3A_109 : vector<16xi32>
      %ge3A_111 = arith.constant 0 : i32
      %ge3A_112 = vector.broadcast %ge3A_111 : i32 to vector<16xi32>
      %ge3A_113 = arith.cmpi sge, %sub3A_110, %ge3A_112 : vector<16xi32>
      %lt3A_114 = arith.constant 8192 : i32
      %lt3A_115 = vector.broadcast %lt3A_114 : i32 to vector<16xi32>
      %lt3A_116 = arith.cmpi slt, %sub3A_110, %lt3A_115 : vector<16xi32>
      %and3A_117 = arith.andi %ge3A_113, %lt3A_116 : vector<16xi1>
      %jit3A_118 = arith.constant 0 : i32
      %jit3A_119 = arith.constant 8191 : i32
      %max3A_120 = vector.broadcast %jit3A_118 : i32 to vector<16xi32>
      %max3A_121 = arith.maxsi %max3A_120, %sub3A_110 : vector<16xi32>
      %min3A_122 = vector.broadcast %jit3A_119 : i32 to vector<16xi32>
      %min3A_123 = arith.minsi %min3A_122, %max3A_121 : vector<16xi32>
      tpu.vector_store_idx %arg8[%min3A_123], %add3A_108 masked %and3A_117 : memref<8192xi32, #tpu.memory_space<vmem>>[vector<16xi32>], vector<16xi32>, vector<16xi1>
      %gather3A_124 = tpu.vector_load_idx %arg8[%min3A_123] masked %and3A_117 : memref<8192xi32, #tpu.memory_space<vmem>>[vector<16xi32>], vector<16xi32>, vector<16xi1>
      %lt3A_125 = arith.cmpi slt, %gather3A_124, %add3A_108 : vector<16xi32>
      %and3A_126 = arith.andi %and3A_117, %lt3A_125 : vector<16xi1>
      %jit3A_127 = arith.constant 1 : i32
      %jit3A_128 = arith.constant 0 : i32
      %broadcast_in_dim3A_129 = vector.broadcast %jit3A_127 : i32 to vector<16xi32>
      %broadcast_in_dim3A_130 = vector.broadcast %jit3A_128 : i32 to vector<16xi32>
      %select_n3A_131 = arith.select %and3A_126, %broadcast_in_dim3A_129, %broadcast_in_dim3A_130 : vector<16xi1>, vector<16xi32>
      %while3A_132 = scf.while (%while3A_134 = %select_n3A_131) : (vector<16xi32>) -> vector<16xi32> {
        %reduce_max3A_135 = arith.constant true
        %reduce_max3A_136 = vector.broadcast %reduce_max3A_135 : i1 to vector<16xi1>
        %reduce_max3A_137 = arith.constant -2147483648 : i32
        %reduce_max3A_138 = vector.broadcast %reduce_max3A_137 : i32 to vector<16xi32>
        %reduce_max3A_139 = arith.xori %while3A_134, %reduce_max3A_138 : vector<16xi32>
        %reduce_max3A_140 = tpu.scan <max>, %reduce_max3A_139 masked %reduce_max3A_136 : vector<16xi32>, vector<16xi1> -> vector<16xi32>
        %reduce_max3A_141 = arith.xori %reduce_max3A_140, %reduce_max3A_138 : vector<16xi32>
        %reduce_max3A_142 = vector.extract %reduce_max3A_141[15] : i32 from vector<16xi32>
        %gt3A = arith.constant 0 : i32
        %gt3A_143 = arith.cmpi sgt, %reduce_max3A_142, %gt3A : i32
        scf.condition(%gt3A_143) %while3A_134 : vector<16xi32>
      } do {
      ^bb0(%while3A_134: vector<16xi32>):
        %gt3A = arith.constant 0 : i32
        %gt3A_135 = vector.broadcast %gt3A : i32 to vector<16xi32>
        %gt3A_136 = arith.cmpi sgt, %while3A_134, %gt3A_135 : vector<16xi32>
        tpu.vector_store_idx %arg8[%min3A_123], %add3A_108 masked %gt3A_136 : memref<8192xi32, #tpu.memory_space<vmem>>[vector<16xi32>], vector<16xi32>, vector<16xi1>
        %gather3A_137 = tpu.vector_load_idx %arg8[%min3A_123] masked %gt3A_136 : memref<8192xi32, #tpu.memory_space<vmem>>[vector<16xi32>], vector<16xi32>, vector<16xi1>
        %lt3A_138 = arith.cmpi slt, %gather3A_137, %add3A_108 : vector<16xi32>
        %and3A_139 = arith.andi %gt3A_136, %lt3A_138 : vector<16xi1>
        %jit3A_140 = arith.constant 1 : i32
        %jit3A_141 = arith.constant 0 : i32
        %broadcast_in_dim3A_142 = vector.broadcast %jit3A_140 : i32 to vector<16xi32>
        %broadcast_in_dim3A_143 = vector.broadcast %jit3A_141 : i32 to vector<16xi32>
        %select_n3A_144 = arith.select %and3A_139, %broadcast_in_dim3A_142, %broadcast_in_dim3A_143 : vector<16xi1>, vector<16xi32>
        scf.yield %select_n3A_144 : vector<16xi32>
      }
      %scan3A_133 = arith.constant 0 : i32
      scf.yield %scan3A_133 : i32
    }
    %scan3A_15 = arith.constant 1000 : i32
    %broadcast_in_dim3A = arith.constant 0 : i32
    %broadcast_in_dim3A_16 = vector.broadcast %broadcast_in_dim3A : i32 to vector<16xi32>
    %scan3A_17 = arith.constant 0 : i32
    %scan3A_18 = arith.constant 1000 : i32
    %scan3A_19 = arith.addi %scan3A_17, %scan3A_18 : i32
    %scan3A_20 = arith.constant 2 : i32
    %scan3A_21 = scf.for %scan3A_38 = %scan3A_17 to %scan3A_19 step %scan3A_20 iter_args(%scan3A_39 = %broadcast_in_dim3A_16) -> (vector<16xi32>)  : i32 {
      %mul3A_40 = arith.constant 16 : i32
      %mul3A_41 = arith.muli %scan3A_38, %mul3A_40 : i32
      %add3A_42 = arith.constant 32000 : i32
      %add3A_43 = arith.addi %add3A_42, %mul3A_41 : i32
      %get3A = arith.index_cast %add3A_43 : i32 to index
      %get3A_44 = tpu.vector_load %arg7[%get3A] {strides = array<i32>} : memref<48000xi32, #tpu.memory_space<vmem>>, vector<16xi32>,
      %mul3A_45 = arith.constant 16 : i32
      %mul3A_46 = arith.muli %scan3A_38, %mul3A_45 : i32
      %add3A_47 = vector.broadcast %mul3A_46 : i32 to vector<16xi32>
      %add3A_48 = arith.addi %add3A_47, %iota3A : vector<16xi32>
      %sub3A = vector.broadcast %mul3A_2 : i32 to vector<16xi32>
      %sub3A_49 = arith.subi %get3A_44, %sub3A : vector<16xi32>
      %ge3A = arith.constant 0 : i32
      %ge3A_50 = vector.broadcast %ge3A : i32 to vector<16xi32>
      %ge3A_51 = arith.cmpi sge, %sub3A_49, %ge3A_50 : vector<16xi32>
      %lt3A = arith.constant 8192 : i32
      %lt3A_52 = vector.broadcast %lt3A : i32 to vector<16xi32>
      %lt3A_53 = arith.cmpi slt, %sub3A_49, %lt3A_52 : vector<16xi32>
      %and3A = arith.andi %ge3A_51, %lt3A_53 : vector<16xi1>
      %jit3A = arith.constant 0 : i32
      %jit3A_54 = arith.constant 8191 : i32
      %max3A = vector.broadcast %jit3A : i32 to vector<16xi32>
      %max3A_55 = arith.maxsi %max3A, %sub3A_49 : vector<16xi32>
      %min3A = vector.broadcast %jit3A_54 : i32 to vector<16xi32>
      %min3A_56 = arith.minsi %min3A, %max3A_55 : vector<16xi32>
      %gather3A = tpu.vector_load_idx %arg8[%min3A_56] masked %and3A : memref<8192xi32, #tpu.memory_space<vmem>>[vector<16xi32>], vector<16xi32>, vector<16xi1>
      %eq3A = arith.cmpi eq, %gather3A, %add3A_48 : vector<16xi32>
      %and3A_57 = arith.andi %and3A, %eq3A : vector<16xi1>
      %jit3A_58 = arith.constant 1 : i32
      %jit3A_59 = arith.constant 0 : i32
      %broadcast_in_dim3A_60 = vector.broadcast %jit3A_58 : i32 to vector<16xi32>
      %broadcast_in_dim3A_61 = vector.broadcast %jit3A_59 : i32 to vector<16xi32>
      %select_n3A = arith.select %and3A_57, %broadcast_in_dim3A_60, %broadcast_in_dim3A_61 : vector<16xi1>, vector<16xi32>
      %broadcast_in_dim3A_62 = arith.constant true
      %broadcast_in_dim3A_63 = vector.broadcast %broadcast_in_dim3A_62 : i1 to vector<16xi1>
      %masked_cumsum3A = tpu.scan <sum>, %select_n3A masked %broadcast_in_dim3A_63 : vector<16xi32>, vector<16xi1> -> vector<16xi32>
      %add3A_64 = arith.addi %scan3A_39, %masked_cumsum3A : vector<16xi32>
      %sub3A_65 = arith.subi %add3A_64, %select_n3A : vector<16xi32>
      %shift_right_logical3A = arith.constant 7 : i32
      %shift_right_logical3A_66 = vector.broadcast %shift_right_logical3A : i32 to vector<16xi32>
      %shift_right_logical3A_67 = arith.shrui %sub3A_65, %shift_right_logical3A_66 : vector<16xi32>
      %and3A_68 = arith.constant 127 : i32
      %and3A_69 = vector.broadcast %and3A_68 : i32 to vector<16xi32>
      %and3A_70 = arith.andi %sub3A_65, %and3A_69 : vector<16xi32>
      tpu.vector_store_idx %arg9[%shift_right_logical3A_67, %and3A_70], %add3A_48 masked %and3A_57 : memref<126x128xi32, #tpu.memory_space<vmem>>[vector<16xi32>, vector<16xi32>], vector<16xi32>, vector<16xi1>
      tpu.vector_store_idx %arg10[%shift_right_logical3A_67, %and3A_70], %get3A_44 masked %and3A_57 : memref<126x128xi32, #tpu.memory_space<vmem>>[vector<16xi32>, vector<16xi32>], vector<16xi32>, vector<16xi1>
      %all_reduce_population_count3A = tpu.all_reduce %and3A_57 {dim = 0 : i64, kind = #tpu.reduction_kind<sum>} : vector<16xi1> -> vector<16xi32>
      %add3A_71 = arith.addi %scan3A_39, %all_reduce_population_count3A : vector<16xi32>
      %scan3A_72 = arith.constant 1 : i32
      %scan3A_73 = arith.addi %scan3A_38, %scan3A_72 : i32
      %mul3A_74 = arith.constant 16 : i32
      %mul3A_75 = arith.muli %scan3A_73, %mul3A_74 : i32
      %add3A_76 = arith.constant 32000 : i32
      %add3A_77 = arith.addi %add3A_76, %mul3A_75 : i32
      %get3A_78 = arith.index_cast %add3A_77 : i32 to index
      %get3A_79 = tpu.vector_load %arg7[%get3A_78] {strides = array<i32>} : memref<48000xi32, #tpu.memory_space<vmem>>, vector<16xi32>,
      %mul3A_80 = arith.constant 16 : i32
      %mul3A_81 = arith.muli %scan3A_73, %mul3A_80 : i32
      %add3A_82 = vector.broadcast %mul3A_81 : i32 to vector<16xi32>
      %add3A_83 = arith.addi %add3A_82, %iota3A : vector<16xi32>
      %sub3A_84 = vector.broadcast %mul3A_2 : i32 to vector<16xi32>
      %sub3A_85 = arith.subi %get3A_79, %sub3A_84 : vector<16xi32>
      %ge3A_86 = arith.constant 0 : i32
      %ge3A_87 = vector.broadcast %ge3A_86 : i32 to vector<16xi32>
      %ge3A_88 = arith.cmpi sge, %sub3A_85, %ge3A_87 : vector<16xi32>
      %lt3A_89 = arith.constant 8192 : i32
      %lt3A_90 = vector.broadcast %lt3A_89 : i32 to vector<16xi32>
      %lt3A_91 = arith.cmpi slt, %sub3A_85, %lt3A_90 : vector<16xi32>
      %and3A_92 = arith.andi %ge3A_88, %lt3A_91 : vector<16xi1>
      %jit3A_93 = arith.constant 0 : i32
      %jit3A_94 = arith.constant 8191 : i32
      %max3A_95 = vector.broadcast %jit3A_93 : i32 to vector<16xi32>
      %max3A_96 = arith.maxsi %max3A_95, %sub3A_85 : vector<16xi32>
      %min3A_97 = vector.broadcast %jit3A_94 : i32 to vector<16xi32>
      %min3A_98 = arith.minsi %min3A_97, %max3A_96 : vector<16xi32>
      %gather3A_99 = tpu.vector_load_idx %arg8[%min3A_98] masked %and3A_92 : memref<8192xi32, #tpu.memory_space<vmem>>[vector<16xi32>], vector<16xi32>, vector<16xi1>
      %eq3A_100 = arith.cmpi eq, %gather3A_99, %add3A_83 : vector<16xi32>
      %and3A_101 = arith.andi %and3A_92, %eq3A_100 : vector<16xi1>
      %jit3A_102 = arith.constant 1 : i32
      %jit3A_103 = arith.constant 0 : i32
      %broadcast_in_dim3A_104 = vector.broadcast %jit3A_102 : i32 to vector<16xi32>
      %broadcast_in_dim3A_105 = vector.broadcast %jit3A_103 : i32 to vector<16xi32>
      %select_n3A_106 = arith.select %and3A_101, %broadcast_in_dim3A_104, %broadcast_in_dim3A_105 : vector<16xi1>, vector<16xi32>
      %broadcast_in_dim3A_107 = arith.constant true
      %broadcast_in_dim3A_108 = vector.broadcast %broadcast_in_dim3A_107 : i1 to vector<16xi1>
      %masked_cumsum3A_109 = tpu.scan <sum>, %select_n3A_106 masked %broadcast_in_dim3A_108 : vector<16xi32>, vector<16xi1> -> vector<16xi32>
      %add3A_110 = arith.addi %add3A_71, %masked_cumsum3A_109 : vector<16xi32>
      %sub3A_111 = arith.subi %add3A_110, %select_n3A_106 : vector<16xi32>
      %shift_right_logical3A_112 = arith.constant 7 : i32
      %shift_right_logical3A_113 = vector.broadcast %shift_right_logical3A_112 : i32 to vector<16xi32>
      %shift_right_logical3A_114 = arith.shrui %sub3A_111, %shift_right_logical3A_113 : vector<16xi32>
      %and3A_115 = arith.constant 127 : i32
      %and3A_116 = vector.broadcast %and3A_115 : i32 to vector<16xi32>
      %and3A_117 = arith.andi %sub3A_111, %and3A_116 : vector<16xi32>
      tpu.vector_store_idx %arg9[%shift_right_logical3A_114, %and3A_117], %add3A_83 masked %and3A_101 : memref<126x128xi32, #tpu.memory_space<vmem>>[vector<16xi32>, vector<16xi32>], vector<16xi32>, vector<16xi1>
      tpu.vector_store_idx %arg10[%shift_right_logical3A_114, %and3A_117], %get3A_79 masked %and3A_101 : memref<126x128xi32, #tpu.memory_space<vmem>>[vector<16xi32>, vector<16xi32>], vector<16xi32>, vector<16xi1>
      %all_reduce_population_count3A_118 = tpu.all_reduce %and3A_101 {dim = 0 : i64, kind = #tpu.reduction_kind<sum>} : vector<16xi1> -> vector<16xi32>
      %add3A_119 = arith.addi %add3A_71, %all_reduce_population_count3A_118 : vector<16xi32>
      scf.yield %add3A_119 : vector<16xi32>
    }
    %scan3A_22 = arith.constant 1000 : i32
    %reduce_max3A = arith.constant true
    %reduce_max3A_23 = vector.broadcast %reduce_max3A : i1 to vector<16xi1>
    %reduce_max3A_24 = arith.constant -2147483648 : i32
    %reduce_max3A_25 = vector.broadcast %reduce_max3A_24 : i32 to vector<16xi32>
    %reduce_max3A_26 = arith.xori %scan3A_21, %reduce_max3A_25 : vector<16xi32>
    %reduce_max3A_27 = tpu.scan <max>, %reduce_max3A_26 masked %reduce_max3A_23 : vector<16xi32>, vector<16xi1> -> vector<16xi32>
    %reduce_max3A_28 = arith.xori %reduce_max3A_27, %reduce_max3A_25 : vector<16xi32>
    %reduce_max3A_29 = vector.extract %reduce_max3A_28[15] : i32 from vector<16xi32>
    %scan3A_30 = arith.constant 0 : i32
    %scan3A_31 = arith.constant 0 : i32
    %scan3A_32 = arith.constant 8 : i32
    %scan3A_33 = arith.addi %scan3A_31, %scan3A_32 : i32
    %scan3A_34 = arith.constant 1 : i32
    %scan3A_35 = scf.for %scan3A_38 = %scan3A_31 to %scan3A_33 step %scan3A_34 iter_args(%scan3A_39 = %scan3A_30) -> (i32)  : i32 {
      %mul3A_40 = arith.constant 16 : i32
      %mul3A_41 = arith.muli %scan3A_38, %mul3A_40 : i32
      %add3A_42 = arith.addi %reduce_max3A_29, %mul3A_41 : i32
      %add3A_43 = vector.broadcast %add3A_42 : i32 to vector<16xi32>
      %add3A_44 = arith.addi %add3A_43, %iota3A : vector<16xi32>
      %shift_right_logical3A = arith.constant 7 : i32
      %shift_right_logical3A_45 = vector.broadcast %shift_right_logical3A : i32 to vector<16xi32>
      %shift_right_logical3A_46 = arith.shrui %add3A_44, %shift_right_logical3A_45 : vector<16xi32>
      %and3A = arith.constant 127 : i32
      %and3A_47 = vector.broadcast %and3A : i32 to vector<16xi32>
      %and3A_48 = arith.andi %add3A_44, %and3A_47 : vector<16xi32>
      %and3A_49 = arith.constant 63 : i32
      %and3A_50 = vector.broadcast %and3A_49 : i32 to vector<16xi32>
      %and3A_51 = arith.andi %add3A_44, %and3A_50 : vector<16xi32>
      tpu.vector_store_idx %arg9[%shift_right_logical3A_46, %and3A_48], %and3A_51 : memref<126x128xi32, #tpu.memory_space<vmem>>[vector<16xi32>, vector<16xi32>], vector<16xi32>,
      %and3A_52 = arith.constant 63 : i32
      %and3A_53 = vector.broadcast %and3A_52 : i32 to vector<16xi32>
      %and3A_54 = arith.andi %add3A_44, %and3A_53 : vector<16xi32>
      %add3A_55 = arith.constant 262144 : i32
      %add3A_56 = vector.broadcast %add3A_55 : i32 to vector<16xi32>
      %add3A_57 = arith.addi %add3A_56, %and3A_54 : vector<16xi32>
      tpu.vector_store_idx %arg10[%shift_right_logical3A_46, %and3A_48], %add3A_57 : memref<126x128xi32, #tpu.memory_space<vmem>>[vector<16xi32>, vector<16xi32>], vector<16xi32>,
      %scan3A_58 = arith.constant 0 : i32
      scf.yield %scan3A_58 : i32
    }
    %scan3A_36 = arith.constant 8 : i32
    %swap3A = arith.constant 0 : index
    %swap3A_37 = tpu.vector_load %arg11[%swap3A] {strides = array<i32>} : memref<16xi32, #tpu.memory_space<vmem>>, vector<16xi32>,
    tpu.vector_store %arg11[%swap3A], %scan3A_21 {strides = array<i32>} : memref<16xi32, #tpu.memory_space<vmem>>, vector<16xi32>,
    "tpu.region"() ({
      %run_scoped3A = tpu.sem_alloc : memref<!tpu.dma_semaphore, #tpu.memory_space<semaphore_mem>>
      %dma_start3A = tpu.memref_slice %arg3[%mul3A_2] : memref<262144xi32, #tpu.memory_space<hbm>> -> memref<8192xi32, #tpu.memory_space<hbm>>
      %dma_start3A_38 = tpu.memref_slice %arg3[%mul3A_2] : memref<262144xi32, #tpu.memory_space<hbm>> -> memref<8192xi32, #tpu.memory_space<hbm>>
      tpu.enqueue_dma source(%arg8 : memref<8192xi32, #tpu.memory_space<vmem>>) target(%dma_start3A_38 : memref<8192xi32, #tpu.memory_space<hbm>>) target_semaphore(%run_scoped3A : memref<!tpu.dma_semaphore, #tpu.memory_space<semaphore_mem>>)
      %dma_wait3A = tpu.memref_slice %arg3[%mul3A_2] : memref<262144xi32, #tpu.memory_space<hbm>> -> memref<8192xi32, #tpu.memory_space<hbm>>
      %dma_wait3A_39 = tpu.memref_slice %arg3[%mul3A_2] : memref<262144xi32, #tpu.memory_space<hbm>> -> memref<8192xi32, #tpu.memory_space<hbm>>
      tpu.wait_dma2 semaphore(%run_scoped3A : memref<!tpu.dma_semaphore, #tpu.memory_space<semaphore_mem>>) src(%arg8 : memref<8192xi32, #tpu.memory_space<vmem>>) dst(%dma_wait3A_39 : memref<8192xi32, #tpu.memory_space<hbm>>)
      tpu.yield
    }) : () -> ()
    "tpu.region"() ({
      %run_scoped3A = tpu.sem_alloc : memref<!tpu.dma_semaphore, #tpu.memory_space<semaphore_mem>>
      %dma_start3A = arith.constant 0 : i32
      %dma_start3A_38 = arith.constant 0 : i32
      %dma_start3A_39 = tpu.memref_slice %arg4[%add3A, %dma_start3A, %dma_start3A_38] : memref<32x126x128xi32, #tpu.memory_space<hbm>> -> memref<1x126x128xi32, #tpu.memory_space<hbm>>
      %dma_start3A_40 = tpu.memref_squeeze %dma_start3A_39 : memref<1x126x128xi32, #tpu.memory_space<hbm>> -> memref<126x128xi32, #tpu.memory_space<hbm>>
      %dma_start3A_41 = arith.constant 0 : i32
      %dma_start3A_42 = arith.constant 0 : i32
      %dma_start3A_43 = tpu.memref_slice %arg4[%add3A, %dma_start3A_41, %dma_start3A_42] : memref<32x126x128xi32, #tpu.memory_space<hbm>> -> memref<1x126x128xi32, #tpu.memory_space<hbm>>
      %dma_start3A_44 = tpu.memref_squeeze %dma_start3A_43 : memref<1x126x128xi32, #tpu.memory_space<hbm>> -> memref<126x128xi32, #tpu.memory_space<hbm>>
      tpu.enqueue_dma source(%arg9 : memref<126x128xi32, #tpu.memory_space<vmem>>) target(%dma_start3A_44 : memref<126x128xi32, #tpu.memory_space<hbm>>) target_semaphore(%run_scoped3A : memref<!tpu.dma_semaphore, #tpu.memory_space<semaphore_mem>>)
      %dma_wait3A = arith.constant 0 : i32
      %dma_wait3A_45 = arith.constant 0 : i32
      %dma_wait3A_46 = tpu.memref_slice %arg4[%add3A, %dma_wait3A, %dma_wait3A_45] : memref<32x126x128xi32, #tpu.memory_space<hbm>> -> memref<1x126x128xi32, #tpu.memory_space<hbm>>
      %dma_wait3A_47 = tpu.memref_squeeze %dma_wait3A_46 : memref<1x126x128xi32, #tpu.memory_space<hbm>> -> memref<126x128xi32, #tpu.memory_space<hbm>>
      %dma_wait3A_48 = arith.constant 0 : i32
      %dma_wait3A_49 = arith.constant 0 : i32
      %dma_wait3A_50 = tpu.memref_slice %arg4[%add3A, %dma_wait3A_48, %dma_wait3A_49] : memref<32x126x128xi32, #tpu.memory_space<hbm>> -> memref<1x126x128xi32, #tpu.memory_space<hbm>>
      %dma_wait3A_51 = tpu.memref_squeeze %dma_wait3A_50 : memref<1x126x128xi32, #tpu.memory_space<hbm>> -> memref<126x128xi32, #tpu.memory_space<hbm>>
      tpu.wait_dma2 semaphore(%run_scoped3A : memref<!tpu.dma_semaphore, #tpu.memory_space<semaphore_mem>>) src(%arg9 : memref<126x128xi32, #tpu.memory_space<vmem>>) dst(%dma_wait3A_51 : memref<126x128xi32, #tpu.memory_space<hbm>>)
      tpu.yield
    }) : () -> ()
    "tpu.region"() ({
      %run_scoped3A = tpu.sem_alloc : memref<!tpu.dma_semaphore, #tpu.memory_space<semaphore_mem>>
      %dma_start3A = arith.constant 0 : i32
      %dma_start3A_38 = arith.constant 0 : i32
      %dma_start3A_39 = tpu.memref_slice %arg5[%add3A, %dma_start3A, %dma_start3A_38] : memref<32x126x128xi32, #tpu.memory_space<hbm>> -> memref<1x126x128xi32, #tpu.memory_space<hbm>>
      %dma_start3A_40 = tpu.memref_squeeze %dma_start3A_39 : memref<1x126x128xi32, #tpu.memory_space<hbm>> -> memref<126x128xi32, #tpu.memory_space<hbm>>
      %dma_start3A_41 = arith.constant 0 : i32
      %dma_start3A_42 = arith.constant 0 : i32
      %dma_start3A_43 = tpu.memref_slice %arg5[%add3A, %dma_start3A_41, %dma_start3A_42] : memref<32x126x128xi32, #tpu.memory_space<hbm>> -> memref<1x126x128xi32, #tpu.memory_space<hbm>>
      %dma_start3A_44 = tpu.memref_squeeze %dma_start3A_43 : memref<1x126x128xi32, #tpu.memory_space<hbm>> -> memref<126x128xi32, #tpu.memory_space<hbm>>
      tpu.enqueue_dma source(%arg10 : memref<126x128xi32, #tpu.memory_space<vmem>>) target(%dma_start3A_44 : memref<126x128xi32, #tpu.memory_space<hbm>>) target_semaphore(%run_scoped3A : memref<!tpu.dma_semaphore, #tpu.memory_space<semaphore_mem>>)
      %dma_wait3A = arith.constant 0 : i32
      %dma_wait3A_45 = arith.constant 0 : i32
      %dma_wait3A_46 = tpu.memref_slice %arg5[%add3A, %dma_wait3A, %dma_wait3A_45] : memref<32x126x128xi32, #tpu.memory_space<hbm>> -> memref<1x126x128xi32, #tpu.memory_space<hbm>>
      %dma_wait3A_47 = tpu.memref_squeeze %dma_wait3A_46 : memref<1x126x128xi32, #tpu.memory_space<hbm>> -> memref<126x128xi32, #tpu.memory_space<hbm>>
      %dma_wait3A_48 = arith.constant 0 : i32
      %dma_wait3A_49 = arith.constant 0 : i32
      %dma_wait3A_50 = tpu.memref_slice %arg5[%add3A, %dma_wait3A_48, %dma_wait3A_49] : memref<32x126x128xi32, #tpu.memory_space<hbm>> -> memref<1x126x128xi32, #tpu.memory_space<hbm>>
      %dma_wait3A_51 = tpu.memref_squeeze %dma_wait3A_50 : memref<1x126x128xi32, #tpu.memory_space<hbm>> -> memref<126x128xi32, #tpu.memory_space<hbm>>
      tpu.wait_dma2 semaphore(%run_scoped3A : memref<!tpu.dma_semaphore, #tpu.memory_space<semaphore_mem>>) src(%arg10 : memref<126x128xi32, #tpu.memory_space<vmem>>) dst(%dma_wait3A_51 : memref<126x128xi32, #tpu.memory_space<hbm>>)
      tpu.yield
    }) : () -> ()
    "tpu.region"() ({
      %run_scoped3A = tpu.sem_alloc : memref<!tpu.dma_semaphore, #tpu.memory_space<semaphore_mem>>
      %dma_start3A = arith.constant 0 : i32
      %dma_start3A_38 = tpu.memref_slice %arg6[%add3A, %dma_start3A] : memref<32x16xi32, #tpu.memory_space<hbm>> -> memref<1x16xi32, #tpu.memory_space<hbm>>
      %dma_start3A_39 = tpu.memref_squeeze %dma_start3A_38 : memref<1x16xi32, #tpu.memory_space<hbm>> -> memref<16xi32, #tpu.memory_space<hbm>>
      %dma_start3A_40 = arith.constant 0 : i32
      %dma_start3A_41 = tpu.memref_slice %arg6[%add3A, %dma_start3A_40] : memref<32x16xi32, #tpu.memory_space<hbm>> -> memref<1x16xi32, #tpu.memory_space<hbm>>
      %dma_start3A_42 = tpu.memref_squeeze %dma_start3A_41 : memref<1x16xi32, #tpu.memory_space<hbm>> -> memref<16xi32, #tpu.memory_space<hbm>>
      tpu.enqueue_dma source(%arg11 : memref<16xi32, #tpu.memory_space<vmem>>) target(%dma_start3A_42 : memref<16xi32, #tpu.memory_space<hbm>>) target_semaphore(%run_scoped3A : memref<!tpu.dma_semaphore, #tpu.memory_space<semaphore_mem>>)
      %dma_wait3A = arith.constant 0 : i32
      %dma_wait3A_43 = tpu.memref_slice %arg6[%add3A, %dma_wait3A] : memref<32x16xi32, #tpu.memory_space<hbm>> -> memref<1x16xi32, #tpu.memory_space<hbm>>
      %dma_wait3A_44 = tpu.memref_squeeze %dma_wait3A_43 : memref<1x16xi32, #tpu.memory_space<hbm>> -> memref<16xi32, #tpu.memory_space<hbm>>
      %dma_wait3A_45 = arith.constant 0 : i32
      %dma_wait3A_46 = tpu.memref_slice %arg6[%add3A, %dma_wait3A_45] : memref<32x16xi32, #tpu.memory_space<hbm>> -> memref<1x16xi32, #tpu.memory_space<hbm>>
      %dma_wait3A_47 = tpu.memref_squeeze %dma_wait3A_46 : memref<1x16xi32, #tpu.memory_space<hbm>> -> memref<16xi32, #tpu.memory_space<hbm>>
      tpu.wait_dma2 semaphore(%run_scoped3A : memref<!tpu.dma_semaphore, #tpu.memory_space<semaphore_mem>>) src(%arg11 : memref<16xi32, #tpu.memory_space<vmem>>) dst(%dma_wait3A_47 : memref<16xi32, #tpu.memory_space<hbm>>)
      tpu.yield
    }) : () -> ()
    return
  }
}

module attributes {stable_mosaic.version = 14 : i64} {
  func.func @_pfn_body(%arg0: i32, %arg1: memref<800x60xf32, #tpu.memory_space<vmem>>, %arg2: memref<800x1xf32, #tpu.memory_space<vmem>>, %arg3: memref<800x2xi32, #tpu.memory_space<vmem>>, %arg4: memref<138x1024xf32, #tpu.memory_space<vmem>>, %arg5: memref<800x128xf32, #tpu.memory_space<vmem>>) attributes {dimension_semantics = [#tpu.dimension_semantics<arbitrary>], iteration_bounds = array<i64: 20>, scalar_prefetch = 0 : i64, scratch_operands = 0 : i64, tpu.core_type = #tpu.core_type<tc>, window_params = [{transform_indices = @transform_0, window_bounds = array<i64: 800, 60>}, {transform_indices = @transform_1, window_bounds = array<i64: 800, 1>}, {transform_indices = @transform_2, window_bounds = array<i64: 800, 2>}, {pipeline_mode = #tpu.pipeline_mode<synchronous>, transform_indices = @transform_3, window_bounds = array<i64: 138, 1024>}, {transform_indices = @transform_4, window_bounds = array<i64: 800, 128>}]} {
    %get3A = arith.constant 0 : index
    %get3A_0 = arith.constant 0 : index
    %get3A_1 = vector.load %arg1[%get3A, %get3A_0] : memref<800x60xf32, #tpu.memory_space<vmem>>, vector<800x60xf32>
    %get3A_2 = arith.constant 0 : index
    %get3A_3 = arith.constant 0 : index
    %get3A_4 = vector.load %arg2[%get3A_2, %get3A_3] : memref<800x1xf32, #tpu.memory_space<vmem>>, vector<800x1xf32>
    %get3A_5 = arith.constant 0 : index
    %get3A_6 = arith.constant 0 : index
    %get3A_7 = vector.load %arg3[%get3A_5, %get3A_6] : memref<800x2xi32, #tpu.memory_space<vmem>>, vector<800x2xi32>
    %convert_element_type3A = arith.sitofp %get3A_7 : vector<800x2xi32> to vector<800x2xf32>
    %iota3A = tpu.iota {dimensions = array<i32: 1>} : vector<1x15xi32>
    %add3A = arith.constant 1 : i32
    %add3A_8 = vector.broadcast %add3A : i32 to vector<1x15xi32>
    %add3A_9 = arith.addi %iota3A, %add3A_8 : vector<1x15xi32>
    %convert_element_type3A_10 = arith.sitofp %add3A_9 : vector<1x15xi32> to vector<1x15xf32>
    %eq3A = vector.broadcast %get3A_4 : vector<800x1xf32> to vector<800x15xf32>
    %eq3A_11 = vector.broadcast %convert_element_type3A_10 : vector<1x15xf32> to vector<800x15xf32>
    %eq3A_12 = arith.cmpf oeq, %eq3A, %eq3A_11 : vector<800x15xf32>
    %convert_element_type3A_13 = arith.extui %eq3A_12 : vector<800x15xi1> to vector<800x15xi32>
    %convert_element_type3A_14 = arith.sitofp %convert_element_type3A_13 : vector<800x15xi32> to vector<800x15xf32>
    %div3A = arith.constant 1.000000e+00 : f32
    %div3A_15 = vector.broadcast %div3A : f32 to vector<800x1xf32>
    %div3A_16 = arith.divf %div3A_15, %get3A_4 : vector<800x1xf32>
    %mul3A = vector.broadcast %div3A_16 : vector<800x1xf32> to vector<800x60xf32>
    %mul3A_17 = arith.mulf %get3A_1, %mul3A : vector<800x60xf32>
    %broadcast_in_dim3A = arith.constant 1.000000e+00 : f32
    %broadcast_in_dim3A_18 = vector.broadcast %broadcast_in_dim3A : f32 to vector<800x1xf32>
    %concatenate3A = tpu.concatenate %get3A_1, %mul3A_17, %convert_element_type3A, %convert_element_type3A_14, %broadcast_in_dim3A_18 in 1 : vector<800x60xf32>, vector<800x60xf32>, vector<800x2xf32>, vector<800x15xf32>, vector<800x1xf32> -> vector<800x138xf32>
    %get3A_19 = arith.constant 0 : index
    %get3A_20 = arith.constant 0 : index
    %get3A_21 = vector.load %arg4[%get3A_19, %get3A_20] : memref<138x1024xf32, #tpu.memory_space<vmem>>, vector<138x1024xf32>
    %dot_general3A = arith.constant dense<0.000000e+00> : vector<800x1024xf32>
    %dot_general3A_22 = tpu.matmul %concatenate3A, %get3A_21, %dot_general3A {dimension_numbers = #tpu.dot_dimension_numbers<[1], [0], [0], [1], [0, 0, 1, 1], [], []>, transpose_lhs_hint = false} : vector<800x138xf32>, vector<138x1024xf32>, vector<800x1024xf32> -> vector<800x1024xf32>
    %slice3A = vector.extract_strided_slice %dot_general3A_22 {offsets = [0, 0], sizes = [800, 128], strides = [1, 1]} : vector<800x1024xf32> to vector<800x128xf32>
    %slice3A_23 = vector.extract_strided_slice %dot_general3A_22 {offsets = [0, 128], sizes = [800, 128], strides = [1, 1]} : vector<800x1024xf32> to vector<800x128xf32>
    %max3A = arith.maximumf %slice3A, %slice3A_23 : vector<800x128xf32>
    %slice3A_24 = vector.extract_strided_slice %dot_general3A_22 {offsets = [0, 256], sizes = [800, 128], strides = [1, 1]} : vector<800x1024xf32> to vector<800x128xf32>
    %max3A_25 = arith.maximumf %max3A, %slice3A_24 : vector<800x128xf32>
    %slice3A_26 = vector.extract_strided_slice %dot_general3A_22 {offsets = [0, 384], sizes = [800, 128], strides = [1, 1]} : vector<800x1024xf32> to vector<800x128xf32>
    %max3A_27 = arith.maximumf %max3A_25, %slice3A_26 : vector<800x128xf32>
    %slice3A_28 = vector.extract_strided_slice %dot_general3A_22 {offsets = [0, 512], sizes = [800, 128], strides = [1, 1]} : vector<800x1024xf32> to vector<800x128xf32>
    %max3A_29 = arith.maximumf %max3A_27, %slice3A_28 : vector<800x128xf32>
    %slice3A_30 = vector.extract_strided_slice %dot_general3A_22 {offsets = [0, 640], sizes = [800, 128], strides = [1, 1]} : vector<800x1024xf32> to vector<800x128xf32>
    %max3A_31 = arith.maximumf %max3A_29, %slice3A_30 : vector<800x128xf32>
    %slice3A_32 = vector.extract_strided_slice %dot_general3A_22 {offsets = [0, 768], sizes = [800, 128], strides = [1, 1]} : vector<800x1024xf32> to vector<800x128xf32>
    %max3A_33 = arith.maximumf %max3A_31, %slice3A_32 : vector<800x128xf32>
    %slice3A_34 = vector.extract_strided_slice %dot_general3A_22 {offsets = [0, 896], sizes = [800, 128], strides = [1, 1]} : vector<800x1024xf32> to vector<800x128xf32>
    %max3A_35 = arith.maximumf %max3A_33, %slice3A_34 : vector<800x128xf32>
    %slice3A_36 = vector.extract_strided_slice %max3A_35 {offsets = [0, 0], sizes = [800, 64], strides = [1, 1]} : vector<800x128xf32> to vector<800x64xf32>
    %slice3A_37 = vector.extract_strided_slice %max3A_35 {offsets = [0, 64], sizes = [800, 64], strides = [1, 1]} : vector<800x128xf32> to vector<800x64xf32>
    %max3A_38 = arith.maximumf %slice3A_36, %slice3A_37 : vector<800x64xf32>
    %max3A_39 = arith.constant 0.000000e+00 : f32
    %max3A_40 = vector.broadcast %max3A_39 : f32 to vector<800x64xf32>
    %max3A_41 = arith.maximumf %max3A_38, %max3A_40 : vector<800x64xf32>
    %concatenate3A_42 = tpu.concatenate %max3A_41, %max3A_41 in 1 : vector<800x64xf32>, vector<800x64xf32> -> vector<800x128xf32>
    %swap3A = arith.constant 0 : index
    %swap3A_43 = arith.constant 0 : index
    %swap3A_44 = vector.load %arg5[%swap3A, %swap3A_43] : memref<800x128xf32, #tpu.memory_space<vmem>>, vector<800x128xf32>
    tpu.vector_store %arg5[%swap3A, %swap3A_43], %concatenate3A_42 {strides = array<i32>} : memref<800x128xf32, #tpu.memory_space<vmem>>, vector<800x128xf32>,
    return
  }
  func.func @transform_0(%arg0: i32) -> (i32, i32) {
    %c0_i32 = arith.constant 0 : i32
    %c0_i32_0 = arith.constant 0 : i32
    return %arg0, %c0_i32 : i32, i32
  }
  func.func @transform_1(%arg0: i32) -> (i32, i32) {
    %c0_i32 = arith.constant 0 : i32
    %c0_i32_0 = arith.constant 0 : i32
    return %arg0, %c0_i32 : i32, i32
  }
  func.func @transform_2(%arg0: i32) -> (i32, i32) {
    %c0_i32 = arith.constant 0 : i32
    %c0_i32_0 = arith.constant 0 : i32
    return %arg0, %c0_i32 : i32, i32
  }
  func.func @transform_3(%arg0: i32) -> (i32, i32) {
    %c0_i32 = arith.constant 0 : i32
    %c0_i32_0 = arith.constant 0 : i32
    %c0_i32_1 = arith.constant 0 : i32
    return %c0_i32, %c0_i32_0 : i32, i32
  }
  func.func @transform_4(%arg0: i32) -> (i32, i32) {
    %c0_i32 = arith.constant 0 : i32
    %c0_i32_0 = arith.constant 0 : i32
    return %arg0, %c0_i32 : i32, i32
  }
}

module attributes {stable_mosaic.version = 14 : i64} {
  func.func @_xpose_body(%arg0: i32, %arg1: memref<4096x128xf32, #tpu.memory_space<vmem>>, %arg2: memref<1x1x4096xi32, #tpu.memory_space<vmem>>, %arg3: memref<64x4096xf32, #tpu.memory_space<vmem>>) attributes {dimension_semantics = [#tpu.dimension_semantics<arbitrary>], iteration_bounds = array<i64: 64>, scalar_prefetch = 0 : i64, scratch_operands = 0 : i64, tpu.core_type = #tpu.core_type<tc>, window_params = [{transform_indices = @transform_0, window_bounds = array<i64: 4096, 128>}, {transform_indices = @transform_1, window_bounds = array<i64: 1, 1, 4096>}, {transform_indices = @transform_2, window_bounds = array<i64: 64, 4096>}]} {
    %get3A = arith.constant 0 : index
    %get3A_0 = arith.constant 0 : index
    %get3A_1 = vector.load %arg1[%get3A, %get3A_0] : memref<4096x128xf32, #tpu.memory_space<vmem>>, vector<4096x128xf32>
    %get3A_2 = arith.constant 0 : index
    %get3A_3 = arith.constant 0 : index
    %get3A_4 = arith.constant 0 : index
    %get3A_5 = vector.load %arg2[%get3A_2, %get3A_3, %get3A_4] : memref<1x1x4096xi32, #tpu.memory_space<vmem>>, vector<1x1x4096xi32>
    %reshape3A = vector.shape_cast %get3A_5 : vector<1x1x4096xi32> to vector<1x4096xi32>
    %ge3A = arith.constant 0 : i32
    %ge3A_6 = vector.broadcast %ge3A : i32 to vector<1x4096xi32>
    %ge3A_7 = arith.cmpi sge, %reshape3A, %ge3A_6 : vector<1x4096xi32>
    %slice3A = vector.extract_strided_slice %get3A_1 {offsets = [0, 0], sizes = [4096, 64], strides = [1, 1]} : vector<4096x128xf32> to vector<4096x64xf32>
    %transpose3A = tpu.transpose %slice3A, [1, 0] : vector<4096x64xf32> -> vector<64x4096xf32>
    %jit3A = arith.constant 0.000000e+00 : f32
    %broadcast_in_dim3A = vector.shape_cast %ge3A_7 : vector<1x4096xi1> to vector<1x4096xi1>
    %broadcast_in_dim3A_8 = vector.broadcast %broadcast_in_dim3A : vector<1x4096xi1> to vector<64x4096xi1>
    %broadcast_in_dim3A_9 = vector.broadcast %jit3A : f32 to vector<64x4096xf32>
    %select_n3A = arith.select %broadcast_in_dim3A_8, %transpose3A, %broadcast_in_dim3A_9 : vector<64x4096xi1>, vector<64x4096xf32>
    %swap3A = arith.constant 0 : index
    %swap3A_10 = arith.constant 0 : index
    %swap3A_11 = vector.load %arg3[%swap3A, %swap3A_10] : memref<64x4096xf32, #tpu.memory_space<vmem>>, vector<64x4096xf32>
    tpu.vector_store %arg3[%swap3A, %swap3A_10], %select_n3A {strides = array<i32>} : memref<64x4096xf32, #tpu.memory_space<vmem>>, vector<64x4096xf32>,
    return
  }
  func.func @transform_0(%arg0: i32) -> (i32, i32) {
    %c0_i32 = arith.constant 0 : i32
    %c0_i32_0 = arith.constant 0 : i32
    return %arg0, %c0_i32 : i32, i32
  }
  func.func @transform_1(%arg0: i32) -> (i32, i32, i32) {
    %c0_i32 = arith.constant 0 : i32
    %c0_i32_0 = arith.constant 0 : i32
    %c0_i32_1 = arith.constant 0 : i32
    return %arg0, %c0_i32, %c0_i32_0 : i32, i32, i32
  }
  func.func @transform_2(%arg0: i32) -> (i32, i32) {
    %c0_i32 = arith.constant 0 : i32
    %c0_i32_0 = arith.constant 0 : i32
    return %c0_i32, %arg0 : i32, i32
  }
}

</mosaic_0001>

<sc_bundles>
// kernel: kernel.6.cloned.1.call-start
scs
__scs_entry_jumppad:
0x0: {  	(pc) =	sbr.rel $0x88, $3  }
0x1: {  	(tag) =	ssettag $0x0;
	lr =	simm.s32 $0x1  }
0x2: {  	[smem:$0x3F9C] =	sst lr;
	_ =	strace $0xD0000000  }
0x3: {  	_ = 	snop  }
0x4: {  	_ = 	snop  }
0x5: {  	_ = 	snop  }
0x6: {  	_ = 	snop  }
0x7: {  	_ = 	snop  }
__scs_overlays_trampoline_lowered:
0x8: {  	[smem:$0x3FAB] =	sst s0  }
0x9: {  	[smem:$0x3FAC] =	sst s1  }
0xa: {  	[smem:$0x3FAD] =	sst s2  }
0xb: {  	[smem:$0x3FAE] =	sst s3  }
0xc: {  	[smem:$0x3FAF] =	sst s4  }
0xd: {  	[smem:$0x3FB0] =	sst s5  }
0xe: {  	[smem:$0x3FB1] =	sst s6  }
0xf: {  	[smem:$0x3FB2] =	sst s7  }
0x10: {  	[smem:$0x3FB3] =	sst s8  }
0x11: {  	[smem:$0x3FB4] =	sst s9;
	s0 =	simm.s32 @!p0 $0x0  }
0x12: {  	s1 =	sld [smem:$0x3F9A];
	s0 =	simm.s32 @p0 $0x1  }
0x13: {  	[smem:$0x3FB5] =	sst s0;
	s0 =	simm.s32 @!p1 $0x0  }
0x14: {  	s2 =	sld [smem:$0x3F99];
	s0 =	simm.s32 @p1 $0x1  }
0x15: {  	[smem:$0x3FB6] =	sst s0;
	s0 =	simm.s32 @!p2 $0x0  }
0x16: {  	s3 =	sld [smem:$0x3FDB];
	s0 =	simm.s32 @p2 $0x1  }
0x17: {  	s4 =	simm.s32 $0x1BF5;
	[smem:$0x3FB8] =	sst s0  }
0x18: {  	s0 =	sld [smem:$0x3F9B];
	_ =	swait.ge [sflag:s4], $0x0  }
0x19: {  	s7 =	sld [smem:$0x3F9C]  }
0x1a: {  	s8 =	sadd.s32 $0xFFFFE003, lr  }
0x1b: {  	s9 =	sadd.s32 $0xFFFFFEF7, lr;
	s5 =	simm.s32 $0xFFFFFFFF;
	p2 =	slt.u32 s8, $0xFFFFF086  }
0x1c: {  	p1 =	slt.u32 s9, $0xF7A;
	s5 =	simm.s32 @!p2 $0x0  }
0x1d: {  	s5 =	simm.s32 @p1 $0x1;
	p0 =	seq.s32 s7, s2  }
0x1e: {  	s7 =	smul.u32 @!p0 $0xF7A, s2;
	p2 =	seq.s32 @!p0 s5, $0x0  }
0x1f: {  	s9 =	smul.u32 $0xF7A, s1;
	s8 =	simm.s32 @!p0 $0x1BF5;
	p2 =	por !p2, p0  }
0x20: {  	[sflag:s8] =	ssyncset.s32 @!p0 $0xFFFFF086;
	s6 =	sadd.s32 @!p0 s3, s7;
	s7 =	simm.s32 @!p0 $0x108  }
0x21: {  	s3 =	sadd.s32 s3, s9;
	s6 =	sadd.s32 @!p0 $0x88, s6;
	s7 =	simm.s32 @p2 $0x1082  }
0x22: {  	[simem:s7], [sflag:s8] =	dma.local @!p0 [hbm:s6], $0xF7A  }
0x23: {  	s9 =	sor.u32 $0xD0000000, s2;
	s6 =	simm.s32 $0x108;
	_ =	swait.ge @!p0 [sflag:s8], $0x0  }
0x24: {  	s3 =	sadd.s32 $0x88, s3;
	s6 =	simm.s32 @!p1 $0x1082;
	[sflag:s4] =	ssyncset.s32 $0xFFFFF086  }
0x25: {  	[simem:s6], [sflag:s4] =	dma.local [hbm:s3], $0xF7A  }
0x26: {  	[smem:$0x3F9C] =	sst s1;
	(tag) =	ssettag s2;
	_ =	strace s9  }
0x27: {  	s1 =	sld [smem:$0x3FAC]  }
0x28: {  	s2 =	sld [smem:$0x3FAD]  }
0x29: {  	s4 =	sld [smem:$0x3FAF]  }
0x2a: {  	p0 =	seq.s32 s5, $0x0;
	s5 =	sld [smem:$0x3FB0]  }
0x2b: {  	s6 =	sld [smem:$0x3FB1]  }
0x2c: {  	s7 =	sld [smem:$0x3FB2]  }
0x2d: {  	s3 =	simm.s32 $0x108;
	s8 =	sld [smem:$0x3FB3]  }
0x2e: {  	s3 =	simm.s32 @!p0 $0x1082;
	s9 =	sld [smem:$0x3FB4]  }
0x2f: {  	lr =	sadd.s32 s0, s3;
	s0 =	sld [smem:$0x3FAB]  }
0x30: {  	s3 =	sld [smem:$0x3FAE]  }
0x31: {  	[smem:$0x3FB7] =	sst s10  }
0x32: {  	s10 =	sld [smem:$0x3FB5];
	_ =	sdelay $0x3  }
0x33: {  	p0 =	seq.s32 s10, $0x1;
	s10 =	sld [smem:$0x3FB7];
	_ =	sdelay $0x3  }
0x34: {  	[smem:$0x3FB7] =	sst s10  }
0x35: {  	s10 =	sld [smem:$0x3FB6];
	_ =	sdelay $0x3  }
0x36: {  	p1 =	seq.s32 s10, $0x1;
	s10 =	sld [smem:$0x3FB7];
	_ =	sdelay $0x3  }
0x37: {  	[smem:$0x3FB7] =	sst s10  }
0x38: {  	s10 =	sld [smem:$0x3FB8]  }
0x39: {  	_ = 	snop;
	(pc) =	sbr.ind lr, $3  }
0x3a: {  	_ = 	snop  }
0x3b: {  	_ = 	snop  }
0x3c: {  	p2 =	seq.s32 s10, $0x1;
	s10 =	sld [smem:$0x3FB7]  }
0x3d: {  	_ =	shalt  }
0x3e: {  	_ =	shalt  }
0x3f: {  	_ =	shalt  }
0x40: {  	_ =	shalt  }
0x41: {  	_ =	shalt  }
0x42: {  	_ =	shalt  }
0x43: {  	_ =	shalt  }
0x44: {  	_ =	shalt  }
0x45: {  	_ =	shalt  }
0x46: {  	_ =	shalt  }
0x47: {  	_ =	shalt  }
0x48: {  	_ =	shalt  }
0x49: {  	_ =	shalt  }
0x4a: {  	_ =	shalt  }
0x4b: {  	_ =	shalt  }
0x4c: {  	_ =	shalt  }
0x4d: {  	_ =	shalt  }
0x4e: {  	_ =	shalt  }
0x4f: {  	_ =	shalt  }
0x50: {  	_ =	shalt  }
0x51: {  	_ =	shalt  }
0x52: {  	_ =	shalt  }
0x53: {  	_ =	shalt  }
0x54: {  	_ =	shalt  }
0x55: {  	_ =	shalt  }
0x56: {  	_ =	shalt  }
0x57: {  	_ =	shalt  }
0x58: {  	_ =	shalt  }
0x59: {  	_ =	shalt  }
0x5a: {  	_ =	shalt  }
0x5b: {  	_ =	shalt  }
0x5c: {  	_ =	shalt  }
0x5d: {  	_ =	shalt  }
0x5e: {  	_ =	shalt  }
0x5f: {  	_ =	shalt  }
0x60: {  	_ =	shalt  }
0x61: {  	_ =	shalt  }
0x62: {  	_ =	shalt  }
0x63: {  	_ =	shalt  }
0x64: {  	_ =	shalt  }
0x65: {  	_ =	shalt  }
0x66: {  	_ =	shalt  }
0x67: {  	_ =	shalt  }
0x68: {  	_ =	shalt  }
0x69: {  	_ =	shalt  }
0x6a: {  	_ =	shalt  }
0x6b: {  	_ =	shalt  }
0x6c: {  	_ =	shalt  }
0x6d: {  	_ =	shalt  }
0x6e: {  	_ =	shalt  }
0x6f: {  	_ =	shalt  }
0x70: {  	_ =	shalt  }
0x71: {  	_ =	shalt  }
0x72: {  	_ =	shalt  }
0x73: {  	_ =	shalt  }
0x74: {  	_ =	shalt  }
0x75: {  	_ =	shalt  }
0x76: {  	_ =	shalt  }
0x77: {  	_ =	shalt  }
0x78: {  	_ =	shalt  }
0x79: {  	_ =	shalt  }
0x7a: {  	_ =	shalt  }
0x7b: {  	_ =	shalt  }
0x7c: {  	_ =	shalt  }
0x7d: {  	_ =	shalt  }
0x7e: {  	_ =	shalt  }
0x7f: {  	_ =	shalt  }
0x80: {  	_ =	shalt  }
0x81: {  	_ =	shalt  }
0x82: {  	_ =	shalt  }
0x83: {  	_ =	shalt  }
0x84: {  	_ =	shalt  }
0x85: {  	_ =	shalt  }
0x86: {  	_ =	shalt  }
0x87: {  	_ =	shalt  }
.Lfunc_end0:
.L_simem_size_0:
called_computation_lowered:
.L_overlay_start_0:
0x88: {  	s2 =	sld [smem:$0x3FD9]  }
0x89: {  	s3 =	sld [smem:$0x3FFE];
	_ =	sdelay $0x1  }
0x8a: {  	s1 =	srdreg.scid  }
0x8b: {  	s0 =	sand.u32 $0x1, s1  }
0x8c: {  	s16 =	sshll.u32 s0, $0xA;
	s2 =	sadd.s32 s3, s2  }
0x8d: {  	s2 =	sadd.s32 s2, s16  }
0x8e: {  	[smem:$0x3FC3] =	sst s2  }
0x8f: {  	_ = 	snop  }
0x90: {  	(tm) =	ssettm $0x1  }
0x91: {  	s17 =	sld [smem:$0x3FFB];
	_ =	sdelay $0x3  }
0x92: {  	_ =	strace s17  }
0x93: {  	s2 =	sld [smem:$0x3FFC];
	_ =	sdelay $0x3  }
0x94: {  	_ =	strace s2  }
0x95: {  	s2 =	sld [smem:$0x3FFD];
	_ =	sdelay $0x3  }
0x96: {  	_ =	strace s2  }
0x97: {  	_ =	strace $0x8FFFFFFF  }
0x98: {  	s18 =	sld [smem:$0x3FDB];
	_ =	sdelay $0x1  }
0x99: {  	s19 =	simm.s32 $_scs_section_size  }
0x9a: {  	s4 =	simm.s32 $_size__tile_overlayer_lowered;
	s5 =	simm.s32 $_tile_overlayer_lowered  }
0x9b: {  	s22 =	simm.s32 $0x1BFF;
	s21 =	sshll.u32 s5, $0x1;
	s2 =	sadd.s32 s19, s18  }
0x9c: {  	s6 =	simm.s32 $0x0;
	s20 =	sshll.u32 s4, $0x1;
	s4 =	sadd.s32 s21, s2  }
0x9d: {  	[timem:s6], [sflag:s22] =	dma.local [hbm:s4], s20  }
0x9e: {  	_ =	swait.ge [sflag:s22], s20  }
0x9f: {  	s3 =	ssub.s32 $0x0, s20;
	[sflag:s22] =	ssyncset.done $0x0  }
0xa0: {  	[sflag:s22] =	ssyncadd.s32 s3;
	_ =	sdelay $0x1  }
0xa1: {  	s23 =	simm.s32 $0x1B8B  }
0xa2: {  	_ =	swait.ge [sflag:s23], $0x1  }
0xa3: {  	[sflag:s23] =	ssyncset.done $0x0  }
0xa4: {  	s25 =	simm.s32 $0x1B8E;
	s24 =	sld [smem:$0x3FFE];
	[sflag:s23] =	ssyncadd.s32 $0xFFFFFFFF  }
0xa5: {  	s26 =	simm.s32 $execute0_lowered;
	[smem:$0x3FD2] =	sst s25  }
0xa6: {  	s4 =	sshll.u32 s26, $0x1;
	_ =	strace $0x80000046;
	[dreg:$0x1] =	wrdreg $0xFFFFFFFF  }
0xa7: {  	s28 =	simm.s32 $_size_execute0_lowered;
	s2 =	sadd.s32 s2, s4;
	[dreg:$0x0] =	wrdreg $0x0  }
0xa8: {  	s4 =	sshll.u32 s28, $0x1;
	[dreg:$0x2] =	wrdreg s2  }
0xa9: {  	[dreg:$0x3] =	wrdreg s4  }
0xaa: {  	[dreg:$0x4] =	wrdreg $0xC0  }
0xab: {  	_ =	task [dreg:s6], $0x5FFFF  }
0xac: {  	[dreg:$0x1] =	wrdreg $0xFFFFFFFF  }
0xad: {  	[dreg:$0x0] =	wrdreg $0x60  }
0xae: {  	[dreg:$0x2] =	wrdreg s24  }
0xaf: {  	[dreg:$0x3] =	wrdreg $0x9  }
0xb0: {  	_ =	task.clear_ibuf [dreg:s6], $0x4FFFF;
	_ =	strace $0x90000046  }
0xb1: {  	s29 =	simm.s32 $0x9;
	_ =	strace $0x80000048  }
0xb2: {  	_ =	swait.ge [sflag:s29], $0x1  }
0xb3: {  	[sflag:s29] =	ssyncadd.s32 $0xFFFFFFFF  }
0xb4: {  	_ =	strace $0x90000048  }
0xb5: {  	_ =	sfence  }
0xb6: {  	s30 =	sld [smem:$0x0];
	_ =	sdelay $0x2  }
0xb7: {  	s31 =	sshll.u32 s1, $0xD;
	s1 =	sshrl.u32 s1, $0x2  }
0xb8: {  	s3 =	sand.u32 $0x4000, s31;
	s1 =	sadd.s32 s1, s30  }
0xb9: {  	s0 =	sor.u32 s3, s0;
	s1 =	sshll.u32 s1, $0x11  }
0xba: {  	s0 =	sor.u32 s1, s0  }
0xbb: {  	s0 =	sadd.s32 $0x8F2B, s0  }
0xbc: {  	[sflag:s0] =	ssyncadd.remote.s32 $0x1  }
0xbd: {  	_ =	sfence.sel $0xFFFF  }
0xbe: {  	[dreg:$0x0] =	wrdreg $0xFFFFFFFF;
	(pc) =	sbr.abs _section_cstart, $3  }
0xbf: {  	[dreg:$0x1] =	wrdreg $0xFFFFFFFF  }
0xc0: {  	_ =	task.clear_ibuf [dreg:s6], $0x2FFFF;
	_ =	strace $0x9FFFFFFF  }
0xc1: {  	(tm) =	ssettm $0x7FFFFFFF  }
tec
execute0_lowered:
.L_overlay_start_1:
0x0: {  	(tag) =	ssettag $0x1  }
0x1: {  	s4 =	rddreg [dreg:$0x0]  }
0x2: {  	s0 =	rddreg [dreg:$0x1]  }
0x3: {  	s3 =	srdreg.scid;
	s1 =	stileid.u32;
	s2 =	simm.s32 $0x0  }
0x4: {  	s12 =	simm.s32 $0x11B80;
	s13 =	simm.s32 $0x15B80;
	s14 =	simm.s32 $0x0  }
0x5: {  	s5 =	sand.u32 $0x1, s3;
	s31 =	sshll.u32 s1, $0x1;
	[smem:$0x7FF] =	sst s2  }
0x6: {  	s3 =	sadd.s32 $0x40800, s4;
	s6 =	sor.u32 s5, s31;
	_ =	strace $0x80000047  }
0x7: {  	s5 =	ssub.s32 $0x2, s5;
	s7 =	sshll.u32 s6, $0xA;
	s8 =	sshll.u32 s6, $0xB  }
0x8: {  	s9 =	sshll.u32 s6, $0x4;
	s10 =	sshrl.u32 s5, $0x1;
	s11 =	sshll.u32 s6, $0xD  }
0x9: {  	s7 =	sadd.s32 s7, s4;
	s8 =	sadd.s32 s8, s4;
	s9 =	sadd.s32 s9, s4  }
0xa: {  	s10 =	ssub.s32 s5, s10;
	v0 =	vmov s11;
	s11 =	simm.s32 $0xDB80;
	s4 =	sadd.s32 $0x61A00, s7  }
0xb: {  	s5 =	sadd.s32 $0x41800, s8;
	s6 =	sadd.s32 $0x51800, s8;
	s7 =	sadd.s32 $0x61800, s9  }
0xc: {  	v1 =	vimm.s32 $0xFFFFFFFF;
	v2 =	vlaneseq.u32;
	v3 =	vimm.s32 $0x0;
	s8 =	smax.u32 s10, $0x1;
	s9 =	simm.s32 $0x1;
	s10 =	simm.s32 $0xBB80  }
.LBB2_1:
0xd: {  	[tilespmem:s2], [sflag:$0x1] =	stream.linear.gather [hbm4b:s3+s2], $0x7D00, $0x38;
	[tilespmem:$0x15C00] =	vst v63  }
0xe: {  	_ =	swait.ge [sflag:s9], $0x7D00  }
0xf: {  	[sflag:s9] =	ssyncset.done $0x0  }
0x10: {  	s15 =	simm.s32 $0xBBA0;
	[sflag:s9] =	ssyncadd.s32 $0xFFFF8300  }
0x11: {  	[tilespmem:s15+$0xFFFFFFE0] =	vst v1  }
0x12: {  	[tilespmem:s15+$0x10] =	vst v1  }
0x13: {  	s16 =	simm.s32 $0x0;
	[tilespmem:s15+$0x0] =	vst v1  }
.LBB2_2:
0x14: {  	s16 =	sadd.s32 $0x4, s16  }
0x15: {  	[tilespmem:s15+$0xFFFFFFF0] =	vst v1;
	s15 =	sadd.s32 $0x40, s15;
	p0 =	slt.u32 s16, $0x1FC  }
.Ltmp0:
0x16: {  	[tilespmem:s15+$0xFFFFFFE0] =	vst v1;
	(pc) =	sbr.rel @p0 .LBB2_2-.Ltmp0, $3  }
0x17: {  	_ =	sdelay $0x1  }
0x18: {  	[tilespmem:s15+$0x10] =	vst v1  }
0x19: {  	[tilespmem:s15+$0x0] =	vst v1  }
.Ltmp1:
0x1a: {  	(pc) =	sbr.rel .LBB2_4-.Ltmp1, $2  }
0x1b: {  	_ =	sdelay $0x2  }
0x1c: {  	[tilespmem:s15+$0xFFFFFFF0] =	vst v1;
	s15 =	simm.s32 $0x0  }
.LBB2_8:
0x1d: {  	p0 =	slt.u32 s15, $0x3E6  }
.Ltmp2:
0x1e: {  	_ = 	snop;
	(pc) =	sbr.rel @!p0 .LBB2_9-.Ltmp2, $3  }
0x1f: {  	_ =	sdelay $0x1  }
0x20: {  	s19 =	sadd.s32 $0x2, s15;
	s16 =	simm.s32 $0xFFFFFFFE  }
0x21: {  	v4 =	vimm.s32 $0x0;
	s17 =	simm.s32 $0x10;
	s18 =	simm.s32 $0x7D10;
	s15 =	smov.u32 s19  }
.LBB2_4:
0x22: {  	s16 =	sshll.u32 s15, $0x4  }
0x23: {  	v4 =	vor.u32 s16, v2  }
0x24: {  	v5 =	vshll.u32 v4, $0x1  }
0x25: {  	v6 =	vor.u32 $0x1, v5;
	_ =	sdelay $0x3  }
0x26: {  	v5 =	vld.idx.msk [tilespmem:v5+s2+$0x0], $0xffff  }
0x27: {  	v6 =	vld.idx.msk [tilespmem:v6+s2+$0x0], $0xffff;
	_ =	sdelay $0x3  }
0x28: {  	v5 =	vshll.u32 v5, $0x9  }
0x29: {  	v6 =	vadd.s32 v6, v5  }
0x2a: {  	v5 =	vsub.s32 v6, v0  }
0x2b: {  	s17 =	sadd.s32 $0x7D00, s16;
	vm0 =	vgt.s32 v5, $0x0  }
0x2c: {  	v7 =	vor.u32 s17, v2;
	vm1 =	vlt.u32 v5, $0x2000;
	v5 =	vnsel vm0, $0x0, v5  }
0x2d: {  	v5 =	vmin.u32 v5, $0x1FFF;
	_ =	sdelay $0x3  }
0x2e: {  	[tilespmem:v7+s2+$0x0] =	vst.idx.msk $0xffff, v6  }
0x2f: {  	[tilespmem:v5+s10+$0x0] =	vst.idx.msk vm1, v4  }
0x30: {  	v6 =	vld.idx.msk [tilespmem:v5+s10+$0x0], vm1;
	_ =	sdelay $0x4  }
0x31: {  	vm0 =	vlt.s32 v6, v4  }
0x32: {  	vm0 =	vmand vm1, vm0  }
0x33: {  	v6 =	vsel vm0, $0x1, v3  }
0x34: {  	v6 =	vor.u32 $0x80000000, v6  }
0x35: {  	(xrf0) =	vmax.scan.msk.u32 $0xffff, v6;
	_ =	sdelay $0x5  }
0x36: {  	v6, _, _ =	vpop (xrf0)  }
0x37: {  	(v2sf) =	vpush v6, $0xF;
	_ =	sdelay $0xe  }
0x38: {  	s31 =	spop (v2sf)  }
0x39: {  	p0 =	slt.u32 s31, $0x80000001  }
.Ltmp3:
0x3a: {  	_ = 	snop;
	(pc) =	sbr.rel @p0 .LBB2_6-.Ltmp3, $1  }
0x3b: {  	_ =	sdelay $0x3  }
.LBB2_5:
0x3c: {  	[tilespmem:v5+s10+$0x0] =	vst.idx.msk vm0, v4  }
0x3d: {  	v6 =	vld.idx.msk [tilespmem:v5+s10+$0x0], vm0;
	_ =	sdelay $0x4  }
0x3e: {  	vm1 =	vlt.s32 v6, v4  }
0x3f: {  	vm0 =	vmand vm0, vm1  }
0x40: {  	v6 =	vsel vm0, $0x1, v3  }
0x41: {  	v6 =	vor.u32 $0x80000000, v6  }
0x42: {  	(xrf0) =	vmax.scan.msk.u32 $0xffff, v6;
	_ =	sdelay $0x5  }
0x43: {  	v6, _, _ =	vpop (xrf0)  }
0x44: {  	(v2sf) =	vpush v6, $0xF;
	_ =	sdelay $0xe  }
0x45: {  	s17 =	spop (v2sf)  }
0x46: {  	p0 =	sgt.u32 s17, $0x80000000  }
.Ltmp4:
0x47: {  	_ = 	snop;
	(pc) =	sbr.rel @p0 .LBB2_5-.Ltmp4, $1  }
0x48: {  	_ =	sdelay $0x3  }
.LBB2_6:
0x49: {  	s17 =	sor.u32 $0x10, s16  }
0x4a: {  	v4 =	vor.u32 s17, v2  }
0x4b: {  	v5 =	vshll.u32 v4, $0x1  }
0x4c: {  	v6 =	vor.u32 $0x1, v5;
	_ =	sdelay $0x3  }
0x4d: {  	v5 =	vld.idx.msk [tilespmem:v5+s2+$0x0], $0xffff  }
0x4e: {  	v6 =	vld.idx.msk [tilespmem:v6+s2+$0x0], $0xffff;
	_ =	sdelay $0x3  }
0x4f: {  	v5 =	vshll.u32 v5, $0x9  }
0x50: {  	v6 =	vadd.s32 v6, v5  }
0x51: {  	v5 =	vsub.s32 v6, v0  }
0x52: {  	s30 =	sadd.s32 $0x7D10, s16;
	vm0 =	vgt.s32 v5, $0x0  }
0x53: {  	v7 =	vor.u32 s30, v2;
	vm1 =	vlt.u32 v5, $0x2000;
	v5 =	vnsel vm0, $0x0, v5  }
0x54: {  	v5 =	vmin.u32 v5, $0x1FFF;
	_ =	sdelay $0x3  }
0x55: {  	[tilespmem:v7+s2+$0x0] =	vst.idx.msk $0xffff, v6  }
0x56: {  	[tilespmem:v5+s10+$0x0] =	vst.idx.msk vm1, v4  }
0x57: {  	v6 =	vld.idx.msk [tilespmem:v5+s10+$0x0], vm1;
	_ =	sdelay $0x4  }
0x58: {  	vm0 =	vlt.s32 v6, v4  }
0x59: {  	vm0 =	vmand vm1, vm0  }
0x5a: {  	v6 =	vsel vm0, $0x1, v3  }
0x5b: {  	v6 =	vor.u32 $0x80000000, v6  }
0x5c: {  	(xrf0) =	vmax.scan.msk.u32 $0xffff, v6;
	_ =	sdelay $0x5  }
0x5d: {  	v6, _, _ =	vpop (xrf0)  }
0x5e: {  	(v2sf) =	vpush v6, $0xF;
	_ =	sdelay $0xe  }
0x5f: {  	s31 =	spop (v2sf)  }
0x60: {  	p0 =	slt.u32 s31, $0x80000001  }
.Ltmp5:
0x61: {  	_ = 	snop;
	(pc) =	sbr.rel @p0 .LBB2_8-.Ltmp5, $1  }
0x62: {  	_ =	sdelay $0x3  }
.LBB2_7:
0x63: {  	[tilespmem:v5+s10+$0x0] =	vst.idx.msk vm0, v4  }
0x64: {  	v6 =	vld.idx.msk [tilespmem:v5+s10+$0x0], vm0;
	_ =	sdelay $0x4  }
0x65: {  	vm1 =	vlt.s32 v6, v4  }
0x66: {  	vm0 =	vmand vm0, vm1  }
0x67: {  	v6 =	vsel vm0, $0x1, v3  }
0x68: {  	v6 =	vor.u32 $0x80000000, v6  }
0x69: {  	(xrf0) =	vmax.scan.msk.u32 $0xffff, v6;
	_ =	sdelay $0x5  }
0x6a: {  	v6, _, _ =	vpop (xrf0)  }
0x6b: {  	(v2sf) =	vpush v6, $0xF;
	_ =	sdelay $0xe  }
0x6c: {  	s16 =	spop (v2sf)  }
0x6d: {  	p0 =	sgt.u32 s16, $0x80000000  }
.Ltmp6:
0x6e: {  	_ = 	snop;
	(pc) =	sbr.rel @p0 .LBB2_7-.Ltmp6, $1  }
0x6f: {  	_ =	sdelay $0x3  }
.Ltmp7:
0x70: {  	_ = 	snop;
	(pc) =	sbr.rel .LBB2_8-.Ltmp7, $1  }
0x71: {  	_ =	sdelay $0x3  }
.LBB2_9:
0x72: {  	s15 =	sadd.s32 $0xFFFFFFF0, s17  }
0x73: {  	s19 =	sand.u32 $0x3FE0, s15  }
0x74: {  	v5 =	vld [tilespmem:s19+$0x7D00];
	_ =	sdelay $0x4  }
0x75: {  	v6 =	vsub.s32 v5, v0  }
0x76: {  	vm0 =	vgt.s32 v6, $0x0  }
0x77: {  	vm1 =	vlt.u32 v6, $0x2000;
	v6 =	vnsel vm0, $0x0, v6  }
0x78: {  	v6 =	vmin.u32 v6, $0x1FFF;
	_ =	sdelay $0x4  }
0x79: {  	v6 =	vld.idx.msk [tilespmem:v6+s10+$0x0], vm1;
	_ =	sdelay $0x3  }
0x7a: {  	v7 =	vor.u32 s15, v2  }
0x7b: {  	vm13 =	veq.s32 v6, v7  }
0x7c: {  	vm0 =	vmand vm1, vm13  }
0x7d: {  	v6 =	vsel vm0, $0x1, v3  }
0x7e: {  	(xrf0) =	vadd.scan.msk.s32 $0xffff, v6;
	_ =	sdelay $0x4  }
0x7f: {  	v6 =	vsel vm0, $0xFFFFFFFF, v3  }
0x80: {  	v6 =	vadd.s32 v6, v4;
	v8, _, _ =	vpop (xrf0)  }
0x81: {  	v6 =	vadd.s32 v8, v6;
	_ =	sdelay $0x4  }
0x82: {  	[tilespmem:v6+s11+$0x0] =	vst.idx.msk vm0, v7  }
0x83: {  	[tilespmem:v6+s12+$0x0] =	vst.idx.msk vm0, v5  }
0x84: {  	v5 =	vld [tilespmem:s18+$0x0];
	_ =	sdelay $0x4  }
0x85: {  	v6 =	vsub.s32 v5, v0  }
0x86: {  	vm14 =	vgt.s32 v6, $0x0  }
0x87: {  	vm2 =	vlt.u32 v6, $0x2000;
	v6 =	vnsel vm14, $0x0, v6  }
0x88: {  	v6 =	vmin.u32 v6, $0x1FFF;
	_ =	sdelay $0x4  }
0x89: {  	v6 =	vld.idx.msk [tilespmem:v6+s10+$0x0], vm2;
	_ =	sdelay $0x3  }
0x8a: {  	v7 =	vor.u32 s17, v2  }
0x8b: {  	vm15 =	veq.s32 v6, v7  }
0x8c: {  	vm1 =	vmand vm2, vm15  }
0x8d: {  	v6 =	vsel vm1, $0x1, v3  }
0x8e: {  	(xrf0) =	vadd.scan.msk.s32 $0xffff, v6;
	_ =	sdelay $0x2  }
0x8f: {  	v6 =	vmpcnt.ones.xlane vm0;
	_ =	sdelay $0x1  }
0x90: {  	v4 =	vadd.s32 v4, v6;
	v6 =	vsel vm1, $0xFFFFFFFF, v3  }
0x91: {  	v6 =	vadd.s32 v6, v4;
	v62, _, _ =	vpop (xrf0)  }
0x92: {  	s16 =	sadd.s32 $0x2, s16;
	v6 =	vadd.s32 v62, v6  }
0x93: {  	p0 =	slt.u32 s16, $0x3E6  }
.Ltmp8:
0x94: {  	_ = 	snop;
	(pc) =	sbr.rel @p0 .LBB2_9-.Ltmp8, $4  }
0x95: {  	_ = 	snop  }
0x96: {  	v63 =	vmpcnt.ones.xlane vm1  }
0x97: {  	[tilespmem:v6+s11+$0x0] =	vst.idx.msk vm1, v7  }
0x98: {  	s17 =	sadd.s32 $0x20, s17;
	s18 =	sadd.s32 $0x20, s18;
	v4 =	vadd.s32 v4, v63;
	[tilespmem:v6+s12+$0x0] =	vst.idx.msk vm1, v5  }
0x99: {  	v5 =	vxor.u32 $0x80000000, v4  }
0x9a: {  	(xrf0) =	vmax.scan.msk.u32 $0xffff, v5;
	_ =	sdelay $0x5  }
0x9b: {  	v5, _, _ =	vpop (xrf0)  }
0x9c: {  	(v2sf) =	vpush v5, $0xF;
	_ =	sdelay $0xe  }
0x9d: {  	s15 =	spop (v2sf)  }
0x9e: {  	s15 =	sxor.u32 $0x80000000, s15  }
0x9f: {  	s16 =	sadd.s32 $0x0, s15  }
0xa0: {  	v5 =	vadd.s32 s16, v2;
	_ =	sdelay $0x3  }
0xa1: {  	s16 =	simm.s32 $0x10;
	v6 =	vand.u32 $0x3F, v5  }
.LBB2_11:
0xa2: {  	s17 =	sadd.s32 s16, s15;
	[tilespmem:v5+s11+$0x0] =	vst.idx.msk $0xffff, v6;
	v6 =	vor.u32 $0x40000, v6;
	p0 =	sne.s32 s16, $0x70  }
.Ltmp9:
0xa3: {  	s16 =	sadd.s32 $0x10, s16;
	[tilespmem:v5+s12+$0x0] =	vst.idx.msk $0xffff, v6;
	v5 =	vadd.s32 s17, v2;
	(pc) =	sbr.rel @p0 .LBB2_11-.Ltmp9, $2  }
0xa4: {  	_ =	sdelay $0x2  }
0xa5: {  	v6 =	vand.u32 $0x3F, v5  }
0xa6: {  	_ =	sdelay $0x3  }
0xa7: {  	[tilespmem:v5+s11+$0x0] =	vst.idx.msk $0xffff, v6;
	v63 =	vor.u32 $0x40000, v6  }
0xa8: {  	[tilespmem:v5+s12+$0x0] =	vst.idx.msk $0xffff, v63  }
0xa9: {  	[tilespmem:$0x15B80] =	vst v4  }
0xaa: {  	[hbm4b:s4+s2] =	stream.linear.scatter [tilespmem:s10], [sflag:$0x1], $0x2000, $0x38;
	[tilespmem:$0x15C00] =	vst v63  }
0xab: {  	_ =	swait.ge [sflag:s9], $0x2000  }
0xac: {  	[sflag:s9] =	ssyncset.done $0x0  }
0xad: {  	[sflag:s9] =	ssyncadd.s32 $0xFFFFE000  }
0xae: {  	[hbm4b:s5+s2] =	stream.linear.scatter [tilespmem:s11], [sflag:$0x1], $0x3F00, $0x38;
	[tilespmem:$0x15C00] =	vst v63  }
0xaf: {  	_ =	swait.ge [sflag:s9], $0x3F00  }
0xb0: {  	[sflag:s9] =	ssyncset.done $0x0  }
0xb1: {  	[sflag:s9] =	ssyncadd.s32 $0xFFFFC100  }
0xb2: {  	[hbm4b:s6+s2] =	stream.linear.scatter [tilespmem:s12], [sflag:$0x1], $0x3F00, $0x38;
	[tilespmem:$0x15C00] =	vst v63  }
0xb3: {  	s14 =	sadd.s32 $0x1, s14;
	_ =	swait.ge [sflag:s9], $0x3F00  }
0xb4: {  	p0 =	sne.s32 s14, s8;
	[sflag:s9] =	ssyncset.done $0x0  }
.Ltmp10:
0xb5: {  	[sflag:s9] =	ssyncadd.s32 $0xFFFFC100;
	(pc) =	sbr.rel @p0 .LBB2_1-.Ltmp10, $4  }
0xb6: {  	[hbm4b:s7+s2] =	stream.linear.scatter [tilespmem:s13], [sflag:$0x1], $0x80, $0x38;
	[tilespmem:$0x15C00] =	vst v63  }
0xb7: {  	_ =	swait.ge [sflag:s9], $0x80  }
0xb8: {  	[sflag:s9] =	ssyncset.done $0x0  }
0xb9: {  	[sflag:s9] =	ssyncadd.s32 $0xFFFFFF80  }
0xba: {  	_ =	sfence.sel $0x180000  }
0xbb: {  	[bflag:$0x0] =	sbarrier.arrive $0xFFFF  }
0xbc: {  	p0 =	sne.s32 s1, $0x0;
	_ =	strace $0x90000047  }
0xbd: {  	s0 =	sadd.s32 @!p0 $0x100000, s0;
	[bflag:$0x2] =	sbarrier.arrive $0xFFFF  }
0xbe: {  	[sflag:s0] =	ssyncadd.tile.s32 @!p0 $0x1;
	_ =	shalt  }
.Lfunc_end2:
_tile_overlayer_lowered:
.L_overlay_start_2:
0xbf: {  	(tag) =	ssettag $0x2  }
0xc0: {  	s0 =	rddreg [dreg:$0x0];
	s2 =	stileid.u32  }
0xc1: {  	s1 =	rddreg [dreg:$0x1];
	p0 =	sne.s32 s2, $0x0  }
0xc2: {  	s3 =	rddreg [dreg:$0x2];
	[bflag:$0x3] =	sbarrier.arrive $0xFFFF;
	s2 =	simm.s32 @!p0 $0x1C01  }
0xc3: {  	[timem:s3], [sflag:s2] =	dma.local @!p0 [hbm:s0], s1  }
0xc4: {  	s0 =	simm.s32 @!p0 $0x1  }
0xc5: {  	_ =	swait.ge @!p0 [sflag:s0], s1  }
0xc6: {  	s1 =	ssub.s32 @!p0 $0x0, s1;
	[sflag:s0] =	ssyncset.done @!p0 $0x0  }
0xc7: {  	[sflag:s0] =	ssyncadd.s32 @!p0 s1  }
0xc8: {  	[bflag:$0x3] =	sbarrier.arrive $0xFFFF  }
0xc9: {  	_ =	shalt  }

// kernel: kernel.9.cloned.1.call-start
scs
__scs_entry_jumppad:
0x0: {  	(pc) =	sbr.rel $0x88, $3  }
0x1: {  	(tag) =	ssettag $0x0;
	lr =	simm.s32 $0x1  }
0x2: {  	[smem:$0x3F9C] =	sst lr;
	_ =	strace $0xD0000000  }
0x3: {  	_ = 	snop  }
0x4: {  	_ = 	snop  }
0x5: {  	_ = 	snop  }
0x6: {  	_ = 	snop  }
0x7: {  	_ = 	snop  }
__scs_overlays_trampoline_lowered:
0x8: {  	[smem:$0x3FAB] =	sst s0  }
0x9: {  	[smem:$0x3FAC] =	sst s1  }
0xa: {  	[smem:$0x3FAD] =	sst s2  }
0xb: {  	[smem:$0x3FAE] =	sst s3  }
0xc: {  	[smem:$0x3FAF] =	sst s4  }
0xd: {  	[smem:$0x3FB0] =	sst s5  }
0xe: {  	[smem:$0x3FB1] =	sst s6  }
0xf: {  	[smem:$0x3FB2] =	sst s7  }
0x10: {  	[smem:$0x3FB3] =	sst s8  }
0x11: {  	[smem:$0x3FB4] =	sst s9;
	s0 =	simm.s32 @!p0 $0x0  }
0x12: {  	s1 =	sld [smem:$0x3F9A];
	s0 =	simm.s32 @p0 $0x1  }
0x13: {  	[smem:$0x3FB5] =	sst s0;
	s0 =	simm.s32 @!p1 $0x0  }
0x14: {  	s2 =	sld [smem:$0x3F99];
	s0 =	simm.s32 @p1 $0x1  }
0x15: {  	[smem:$0x3FB6] =	sst s0;
	s0 =	simm.s32 @!p2 $0x0  }
0x16: {  	s3 =	sld [smem:$0x3FDB];
	s0 =	simm.s32 @p2 $0x1  }
0x17: {  	s4 =	simm.s32 $0x1BF5;
	[smem:$0x3FB8] =	sst s0  }
0x18: {  	s0 =	sld [smem:$0x3F9B];
	_ =	swait.ge [sflag:s4], $0x0  }
0x19: {  	s7 =	sld [smem:$0x3F9C]  }
0x1a: {  	s8 =	sadd.s32 $0xFFFFE003, lr  }
0x1b: {  	s9 =	sadd.s32 $0xFFFFFEF7, lr;
	s5 =	simm.s32 $0xFFFFFFFF;
	p2 =	slt.u32 s8, $0xFFFFF086  }
0x1c: {  	p1 =	slt.u32 s9, $0xF7A;
	s5 =	simm.s32 @!p2 $0x0  }
0x1d: {  	s5 =	simm.s32 @p1 $0x1;
	p0 =	seq.s32 s7, s2  }
0x1e: {  	s7 =	smul.u32 @!p0 $0xF7A, s2;
	p2 =	seq.s32 @!p0 s5, $0x0  }
0x1f: {  	s9 =	smul.u32 $0xF7A, s1;
	s8 =	simm.s32 @!p0 $0x1BF5;
	p2 =	por !p2, p0  }
0x20: {  	[sflag:s8] =	ssyncset.s32 @!p0 $0xFFFFF086;
	s6 =	sadd.s32 @!p0 s3, s7;
	s7 =	simm.s32 @!p0 $0x108  }
0x21: {  	s3 =	sadd.s32 s3, s9;
	s6 =	sadd.s32 @!p0 $0x88, s6;
	s7 =	simm.s32 @p2 $0x1082  }
0x22: {  	[simem:s7], [sflag:s8] =	dma.local @!p0 [hbm:s6], $0xF7A  }
0x23: {  	s9 =	sor.u32 $0xD0000000, s2;
	s6 =	simm.s32 $0x108;
	_ =	swait.ge @!p0 [sflag:s8], $0x0  }
0x24: {  	s3 =	sadd.s32 $0x88, s3;
	s6 =	simm.s32 @!p1 $0x1082;
	[sflag:s4] =	ssyncset.s32 $0xFFFFF086  }
0x25: {  	[simem:s6], [sflag:s4] =	dma.local [hbm:s3], $0xF7A  }
0x26: {  	[smem:$0x3F9C] =	sst s1;
	(tag) =	ssettag s2;
	_ =	strace s9  }
0x27: {  	s1 =	sld [smem:$0x3FAC]  }
0x28: {  	s2 =	sld [smem:$0x3FAD]  }
0x29: {  	s4 =	sld [smem:$0x3FAF]  }
0x2a: {  	p0 =	seq.s32 s5, $0x0;
	s5 =	sld [smem:$0x3FB0]  }
0x2b: {  	s6 =	sld [smem:$0x3FB1]  }
0x2c: {  	s7 =	sld [smem:$0x3FB2]  }
0x2d: {  	s3 =	simm.s32 $0x108;
	s8 =	sld [smem:$0x3FB3]  }
0x2e: {  	s3 =	simm.s32 @!p0 $0x1082;
	s9 =	sld [smem:$0x3FB4]  }
0x2f: {  	lr =	sadd.s32 s0, s3;
	s0 =	sld [smem:$0x3FAB]  }
0x30: {  	s3 =	sld [smem:$0x3FAE]  }
0x31: {  	[smem:$0x3FB7] =	sst s10  }
0x32: {  	s10 =	sld [smem:$0x3FB5];
	_ =	sdelay $0x3  }
0x33: {  	p0 =	seq.s32 s10, $0x1;
	s10 =	sld [smem:$0x3FB7];
	_ =	sdelay $0x3  }
0x34: {  	[smem:$0x3FB7] =	sst s10  }
0x35: {  	s10 =	sld [smem:$0x3FB6];
	_ =	sdelay $0x3  }
0x36: {  	p1 =	seq.s32 s10, $0x1;
	s10 =	sld [smem:$0x3FB7];
	_ =	sdelay $0x3  }
0x37: {  	[smem:$0x3FB7] =	sst s10  }
0x38: {  	s10 =	sld [smem:$0x3FB8]  }
0x39: {  	_ = 	snop;
	(pc) =	sbr.ind lr, $3  }
0x3a: {  	_ = 	snop  }
0x3b: {  	_ = 	snop  }
0x3c: {  	p2 =	seq.s32 s10, $0x1;
	s10 =	sld [smem:$0x3FB7]  }
0x3d: {  	_ =	shalt  }
0x3e: {  	_ =	shalt  }
0x3f: {  	_ =	shalt  }
0x40: {  	_ =	shalt  }
0x41: {  	_ =	shalt  }
0x42: {  	_ =	shalt  }
0x43: {  	_ =	shalt  }
0x44: {  	_ =	shalt  }
0x45: {  	_ =	shalt  }
0x46: {  	_ =	shalt  }
0x47: {  	_ =	shalt  }
0x48: {  	_ =	shalt  }
0x49: {  	_ =	shalt  }
0x4a: {  	_ =	shalt  }
0x4b: {  	_ =	shalt  }
0x4c: {  	_ =	shalt  }
0x4d: {  	_ =	shalt  }
0x4e: {  	_ =	shalt  }
0x4f: {  	_ =	shalt  }
0x50: {  	_ =	shalt  }
0x51: {  	_ =	shalt  }
0x52: {  	_ =	shalt  }
0x53: {  	_ =	shalt  }
0x54: {  	_ =	shalt  }
0x55: {  	_ =	shalt  }
0x56: {  	_ =	shalt  }
0x57: {  	_ =	shalt  }
0x58: {  	_ =	shalt  }
0x59: {  	_ =	shalt  }
0x5a: {  	_ =	shalt  }
0x5b: {  	_ =	shalt  }
0x5c: {  	_ =	shalt  }
0x5d: {  	_ =	shalt  }
0x5e: {  	_ =	shalt  }
0x5f: {  	_ =	shalt  }
0x60: {  	_ =	shalt  }
0x61: {  	_ =	shalt  }
0x62: {  	_ =	shalt  }
0x63: {  	_ =	shalt  }
0x64: {  	_ =	shalt  }
0x65: {  	_ =	shalt  }
0x66: {  	_ =	shalt  }
0x67: {  	_ =	shalt  }
0x68: {  	_ =	shalt  }
0x69: {  	_ =	shalt  }
0x6a: {  	_ =	shalt  }
0x6b: {  	_ =	shalt  }
0x6c: {  	_ =	shalt  }
0x6d: {  	_ =	shalt  }
0x6e: {  	_ =	shalt  }
0x6f: {  	_ =	shalt  }
0x70: {  	_ =	shalt  }
0x71: {  	_ =	shalt  }
0x72: {  	_ =	shalt  }
0x73: {  	_ =	shalt  }
0x74: {  	_ =	shalt  }
0x75: {  	_ =	shalt  }
0x76: {  	_ =	shalt  }
0x77: {  	_ =	shalt  }
0x78: {  	_ =	shalt  }
0x79: {  	_ =	shalt  }
0x7a: {  	_ =	shalt  }
0x7b: {  	_ =	shalt  }
0x7c: {  	_ =	shalt  }
0x7d: {  	_ =	shalt  }
0x7e: {  	_ =	shalt  }
0x7f: {  	_ =	shalt  }
0x80: {  	_ =	shalt  }
0x81: {  	_ =	shalt  }
0x82: {  	_ =	shalt  }
0x83: {  	_ =	shalt  }
0x84: {  	_ =	shalt  }
0x85: {  	_ =	shalt  }
0x86: {  	_ =	shalt  }
0x87: {  	_ =	shalt  }
.Lfunc_end0:
.L_simem_size_0:
called_computation.1_lowered:
.L_overlay_start_0:
0x88: {  	s2 =	sld [smem:$0x3FD9]  }
0x89: {  	s3 =	sld [smem:$0x3FFE];
	_ =	sdelay $0x1  }
0x8a: {  	s1 =	srdreg.scid  }
0x8b: {  	s0 =	sand.u32 $0x1, s1  }
0x8c: {  	s17 =	sshll.u32 s0, $0xA;
	s2 =	sadd.s32 s3, s2  }
0x8d: {  	s2 =	sadd.s32 s2, s17  }
0x8e: {  	[smem:$0x3FC3] =	sst s2  }
0x8f: {  	_ = 	snop  }
0x90: {  	s2 =	sld [smem:$0x3FD0];
	(tm) =	ssettm $0x1  }
0x91: {  	s18 =	sld [smem:$0x3FFB];
	_ =	sdelay $0x3  }
0x92: {  	_ =	strace s18  }
0x93: {  	s3 =	sld [smem:$0x3FFC];
	_ =	sdelay $0x3  }
0x94: {  	_ =	strace s3  }
0x95: {  	s3 =	sld [smem:$0x3FFD];
	_ =	sdelay $0x3  }
0x96: {  	_ =	strace s3  }
0x97: {  	_ =	strace $0x8FFFFFFF  }
0x98: {  	s19 =	sld [smem:$0x3FDB];
	_ =	sdelay $0x1  }
0x99: {  	s4 =	simm.s32 $_scs_section_size  }
0x9a: {  	s5 =	simm.s32 $_size__tile_overlayer_lowered;
	s6 =	simm.s32 $_tile_overlayer_lowered  }
0x9b: {  	s22 =	simm.s32 $0x1BFF;
	s21 =	sshll.u32 s6, $0x1;
	s3 =	sadd.s32 s4, s19  }
0x9c: {  	s7 =	simm.s32 $0x0;
	s20 =	sshll.u32 s5, $0x1;
	s5 =	sadd.s32 s21, s3  }
0x9d: {  	[timem:s7], [sflag:s22] =	dma.local [hbm:s5], s20  }
0x9e: {  	_ =	swait.ge [sflag:s22], s20  }
0x9f: {  	s4 =	ssub.s32 $0x0, s20;
	[sflag:s22] =	ssyncset.done $0x0  }
0xa0: {  	[sflag:s22] =	ssyncadd.s32 s4;
	_ =	sdelay $0x1  }
0xa1: {  	s23 =	simm.s32 $0x1B8B  }
0xa2: {  	_ =	swait.ge [sflag:s23], $0x1  }
0xa3: {  	[sflag:s23] =	ssyncset.done $0x0  }
0xa4: {  	s25 =	simm.s32 $0x1B8E;
	s24 =	sld [smem:$0x3FFE];
	[sflag:s23] =	ssyncadd.s32 $0xFFFFFFFF  }
0xa5: {  	s26 =	simm.s32 $execute0_lowered;
	[smem:$0x3FD2] =	sst s25  }
0xa6: {  	s5 =	sshll.u32 s26, $0x1;
	_ =	strace $0x80000049;
	[dreg:$0x1] =	wrdreg $0xFFFFFFFF  }
0xa7: {  	s28 =	simm.s32 $_size_execute0_lowered;
	s3 =	sadd.s32 s3, s5;
	[dreg:$0x0] =	wrdreg $0x0  }
0xa8: {  	s5 =	sshll.u32 s28, $0x1;
	[dreg:$0x2] =	wrdreg s3  }
0xa9: {  	[dreg:$0x3] =	wrdreg s5  }
0xaa: {  	[dreg:$0x4] =	wrdreg $0xC0  }
0xab: {  	_ =	task [dreg:s7], $0x5FFFF  }
0xac: {  	[dreg:$0x1] =	wrdreg $0xFFFFFFFF  }
0xad: {  	[dreg:$0x0] =	wrdreg $0x60  }
0xae: {  	[dreg:$0x2] =	wrdreg s2  }
0xaf: {  	[dreg:$0x3] =	wrdreg s24  }
0xb0: {  	[dreg:$0x4] =	wrdreg $0x9  }
0xb1: {  	_ =	task.clear_ibuf [dreg:s7], $0x5FFFF;
	_ =	strace $0x90000049  }
0xb2: {  	s29 =	simm.s32 $0x9;
	_ =	strace $0x8000004B  }
0xb3: {  	_ =	swait.ge [sflag:s29], $0x1  }
0xb4: {  	[sflag:s29] =	ssyncadd.s32 $0xFFFFFFFF  }
0xb5: {  	_ =	strace $0x9000004B  }
0xb6: {  	_ =	sfence  }
0xb7: {  	s30 =	sld [smem:$0x0];
	_ =	sdelay $0x2  }
0xb8: {  	s31 =	sshll.u32 s1, $0xD;
	s1 =	sshrl.u32 s1, $0x2  }
0xb9: {  	s3 =	sand.u32 $0x4000, s31;
	s1 =	sadd.s32 s1, s30  }
0xba: {  	s0 =	sor.u32 s3, s0;
	s1 =	sshll.u32 s1, $0x11  }
0xbb: {  	s0 =	sor.u32 s1, s0  }
0xbc: {  	s0 =	sadd.s32 $0x8F2B, s0  }
0xbd: {  	[sflag:s0] =	ssyncadd.remote.s32 $0x1  }
0xbe: {  	_ =	sfence.sel $0xFFFF  }
0xbf: {  	[dreg:$0x0] =	wrdreg $0xFFFFFFFF;
	(pc) =	sbr.abs _section_cstart, $3  }
0xc0: {  	[dreg:$0x1] =	wrdreg $0xFFFFFFFF  }
0xc1: {  	_ =	task.clear_ibuf [dreg:s7], $0x2FFFF;
	_ =	strace $0x9FFFFFFF  }
0xc2: {  	(tm) =	ssettm $0x7FFFFFFF  }
0xc3: {  	_ =	shalt  }
tec
execute0_lowered:
.L_overlay_start_1:
0x0: {  	(tag) =	ssettag $0x1  }
0x1: {  	s2 =	rddreg [dreg:$0x0]  }
0x2: {  	s4 =	rddreg [dreg:$0x1]  }
0x3: {  	s0 =	rddreg [dreg:$0x2];
	s5 =	srdreg.scid  }
0x4: {  	s1 =	stileid.u32;
	s3 =	simm.s32 $0x0;
	s10 =	simm.s32 $0x8000  }
0x5: {  	s11 =	simm.s32 $0x1;
	s12 =	simm.s32 $0x80;
	s13 =	simm.s32 $0x8080  }
0x6: {  	s14 =	simm.s32 $0x2;
	s5 =	sand.u32 $0x1, s5;
	s6 =	sshll.u32 s1, $0x1  }
0x7: {  	s15 =	simm.s32 $0x0;
	[smem:$0x7FF] =	sst s3;
	s6 =	sor.u32 s5, s6  }
.Ltmp0:
0x8: {  	_ =	strace $0x8000004A;
	s5 =	ssub.s32 $0x2, s5;
	(pc) =	sbr.rel .LBB2_1-.Ltmp0, $4  }
0x9: {  	s7 =	sshll.u32 s6, $0xB;
	s6 =	sshll.u32 s6, $0x4;
	s31 =	sshrl.u32 s5, $0x1  }
0xa: {  	s7 =	sadd.s32 s7, s4;
	s8 =	sadd.s32 s6, s4;
	s4 =	sadd.s32 $0x69A00, s4  }
0xb: {  	s9 =	ssub.s32 s5, s31;
	s5 =	sadd.s32 $0x41800, s7;
	s6 =	sadd.s32 $0x51800, s7  }
0xc: {  	s7 =	sadd.s32 $0x61800, s8;
	s8 =	smax.u32 s9, $0x1;
	s9 =	simm.s32 $0x3  }
.LBB2_4:
0xd: {  	[sflag:s14] =	ssyncadd.s32 $0xFFFFC000  }
.LBB2_5:
0xe: {  	s15 =	sadd.s32 $0x1, s15  }
0xf: {  	p0 =	sne.s32 s15, s8  }
.Ltmp1:
0x10: {  	_ = 	snop;
	(pc) =	sbr.rel @!p0 .LBB2_6-.Ltmp1, $1  }
0x11: {  	_ =	sdelay $0x3  }
.LBB2_1:
0x12: {  	[tilespmem:s3], [sflag:$0x3] =	stream.linear.gather [hbm4b:s5+s3], $0x3F00, $0x38;
	[tilespmem:$0xC080] =	vst v63  }
0x13: {  	_ =	swait.ge [sflag:s9], $0x3F00  }
0x14: {  	[sflag:s9] =	ssyncset.done $0x0  }
0x15: {  	s16 =	simm.s32 $0x4000;
	[sflag:s9] =	ssyncadd.s32 $0xFFFFC100  }
0x16: {  	[tilespmem:s16], [sflag:$0x3] =	stream.linear.gather [hbm4b:s6+s3], $0x3F00, $0x38;
	[tilespmem:$0xC080] =	vst v63  }
0x17: {  	_ =	swait.ge [sflag:s9], $0x3F00  }
0x18: {  	[sflag:s9] =	ssyncset.done $0x0  }
0x19: {  	[sflag:s9] =	ssyncadd.s32 $0xFFFFC100  }
0x1a: {  	[tilespmem:s10], [sflag:$0x3] =	stream.linear.gather [hbm4b:s7+s3], $0x80, $0x38;
	[tilespmem:$0xC080] =	vst v63  }
0x1b: {  	_ =	swait.ge [sflag:s9], $0x80  }
0x1c: {  	[sflag:s9] =	ssyncset.done $0x0  }
0x1d: {  	[sflag:s9] =	ssyncadd.s32 $0xFFFFFF80  }
0x1e: {  	v0 =	vld [tilespmem:$0x8000];
	_ =	sdelay $0x4  }
0x1f: {  	v0 =	vxor.u32 $0x80000000, v0  }
0x20: {  	(xrf0) =	vmax.scan.msk.u32 $0xffff, v0;
	_ =	sdelay $0x5  }
0x21: {  	v0, _, _ =	vpop (xrf0)  }
0x22: {  	(v2sf) =	vpush v0, $0xF;
	_ =	sdelay $0xe  }
0x23: {  	s17 =	spop (v2sf)  }
0x24: {  	s17 =	sadd.s32 $0x8000007F, s17  }
0x25: {  	s18 =	sand.u32 $0x7F, s17  }
0x26: {  	s31 =	sshra.s32 s17, $0x1F;
	p1 =	slt.s32 s17, $0x1;
	p0 =	sne.s32 s18, $0x0  }
0x27: {  	s18 =	sshrl.u32 s31, $0x19;
	p0 =	por !p1, !p0  }
0x28: {  	s17 =	sadd.s32 s18, s17;
	s18 =	simm.s32 $0x1;
	p0 =	por !p0, !p0  }
0x29: {  	s17 =	sshra.s32 s17, $0x7;
	s18 =	simm.s32 @!p0 $0x0  }
0x2a: {  	s17 =	ssub.s32 s17, s18  }
0x2b: {  	p0 =	slt.s32 s17, $0x1  }
.Ltmp2:
0x2c: {  	_ = 	snop;
	(pc) =	sbr.rel @p0 .LBB2_5-.Ltmp2, $1  }
0x2d: {  	_ =	sdelay $0x3  }
0x2e: {  	[tilespmem:s13], [sflag:$0x1] =	stream.indirect.gather [hbm4b:s2+s12], $0x80, s3, s12, $0xb8;
	[tilespmem:$0xC080] =	vst v63  }
0x2f: {  	p0 =	sne.s32 s17, $0x1;
	_ =	swait.ge [sflag:s11], $0x4000  }
.Ltmp3:
0x30: {  	[sflag:s11] =	ssyncset.done $0x0;
	(pc) =	sbr.rel @!p0 .LBB2_4-.Ltmp3, $4  }
0x31: {  	[sflag:s11] =	ssyncadd.s32 $0xFFFFC000  }
0x32: {  	[hbm4b:s4+s12] =	stream.indirect.scatter [tilespmem:s13], [sflag:$0x2], $0x80, s16, s12, $0xb8;
	[tilespmem:$0xC080] =	vst v63  }
0x33: {  	_ =	swait.ge [sflag:s14], $0x4000  }
0x34: {  	s17 =	sadd.s32 $0xFFFFFFFF, s17;
	s18 =	simm.s32 $0x0;
	[sflag:s14] =	ssyncset.done $0x0  }
.LBB2_3:
0x35: {  	[sflag:s14] =	ssyncadd.s32 $0xFFFFC000;
	s18 =	sadd.s32 $0x80, s18;
	s16 =	sadd.s32 $0x80, s16  }
0x36: {  	[tilespmem:s13], [sflag:$0x1] =	stream.indirect.gather [hbm4b:s2+s12], $0x80, s18, s12, $0xb8;
	[tilespmem:$0xC080] =	vst v63  }
0x37: {  	p0 =	sne.s32 s17, $0x1;
	s17 =	sadd.s32 $0xFFFFFFFF, s17;
	_ =	swait.ge [sflag:s11], $0x4000  }
.Ltmp4:
0x38: {  	[sflag:s11] =	ssyncset.done $0x0;
	(pc) =	sbr.rel @p0 .LBB2_3-.Ltmp4, $4  }
0x39: {  	[sflag:s11] =	ssyncadd.s32 $0xFFFFC000  }
0x3a: {  	[hbm4b:s4+s12] =	stream.indirect.scatter [tilespmem:s13], [sflag:$0x2], $0x80, s16, s12, $0xb8;
	[tilespmem:$0xC080] =	vst v63  }
0x3b: {  	_ =	swait.ge [sflag:s14], $0x4000  }
0x3c: {  	[sflag:s14] =	ssyncset.done $0x0  }
.Ltmp5:
0x3d: {  	_ = 	snop;
	(pc) =	sbr.rel .LBB2_4-.Ltmp5, $1  }
0x3e: {  	_ =	sdelay $0x3  }
.LBB2_6:
0x3f: {  	_ =	sfence.sel $0x180000  }
0x40: {  	[bflag:$0x0] =	sbarrier.arrive $0xFFFF  }
0x41: {  	p0 =	sne.s32 s1, $0x0;
	_ =	strace $0x9000004A  }
0x42: {  	s0 =	sadd.s32 @!p0 $0x100000, s0;
	[bflag:$0x2] =	sbarrier.arrive $0xFFFF  }
0x43: {  	[sflag:s0] =	ssyncadd.tile.s32 @!p0 $0x1;
	_ =	shalt  }
.Lfunc_end2:
_tile_overlayer_lowered:
.L_overlay_start_2:
0x44: {  	(tag) =	ssettag $0x2  }
0x45: {  	s0 =	rddreg [dreg:$0x0];
	s2 =	stileid.u32  }
0x46: {  	s1 =	rddreg [dreg:$0x1];
	p0 =	sne.s32 s2, $0x0  }
0x47: {  	s3 =	rddreg [dreg:$0x2];
	[bflag:$0x3] =	sbarrier.arrive $0xFFFF;
	s2 =	simm.s32 @!p0 $0x1C03  }
0x48: {  	[timem:s3], [sflag:s2] =	dma.local @!p0 [hbm:s0], s1  }
0x49: {  	s0 =	simm.s32 @!p0 $0x3  }
0x4a: {  	_ =	swait.ge @!p0 [sflag:s0], s1  }
0x4b: {  	s1 =	ssub.s32 @!p0 $0x0, s1;
	[sflag:s0] =	ssyncset.done @!p0 $0x0  }
0x4c: {  	[sflag:s0] =	ssyncadd.s32 @!p0 s1  }
0x4d: {  	[bflag:$0x3] =	sbarrier.arrive $0xFFFF  }
0x4e: {  	_ =	shalt  }

</sc_bundles>
